<compile_context>
chip_gen: v7x
topology: tpu7x:2x2x1
jax: 0.10.2.dev20260603
libtpu: 0.0.44.dev20260713+nightly
codegen_flags: <defaults>
</compile_context>

<pallas_src>
import functools

import jax
import jax.numpy as jnp
from jax import lax
from jax.experimental import pallas as pl
from jax.experimental.pallas import tpu as pltpu
from jax.experimental.pallas import tpu_sc as plsc

N = 100000
D = 128
CHUNK = 200
NCHUNK = N // CHUNK
NC, NS = 2, 16
NW = NC * NS
MAXI = -(-NCHUNK // NW)
NBUF = 4


def _body(idx_hbm, emb_hbm, out_hbm, *scr):
    table_sh = scr[0]
    idx_v = scr[1:1 + MAXI]
    rows_v = scr[1 + MAXI:1 + MAXI + NBUF]
    sem_i = scr[1 + MAXI + NBUF]
    sem_g = scr[2 + MAXI + NBUF:2 + MAXI + 2 * NBUF]
    sem_o = scr[2 + MAXI + 2 * NBUF:2 + MAXI + 3 * NBUF]

    c = lax.axis_index("c")
    s = lax.axis_index("s")
    wid = s * NC + c

    def guard(i):
        return wid + i * NW < NCHUNK

    idx_copies = {}
    for i in range(MAXI):
        k = wid + i * NW

        @pl.when(guard(i))
        def _fetch(i=i, k=k):
            idx_copies[i] = pltpu.async_copy(idx_hbm.at[k], idx_v[i], sem_i)

    @pl.when(s == 0)
    def _stage():
        pltpu.sync_copy(emb_hbm, table_sh.at[pl.ds(1, 36)])

    plsc.subcore_barrier()

    for i in range(MAXI):
        @pl.when(guard(i))
        def _drain_idx(i=i):
            idx_copies[i].wait()

    gathers = {}
    outs = {}

    for i in range(NBUF - 1):
        @pl.when(guard(i))
        def _prime(i=i):
            gathers[i] = pltpu.async_copy(
                table_sh.at[idx_v[i]], rows_v[i % NBUF], sem_g[i % NBUF])

    for i in range(MAXI):
        k = wid + i * NW
        j = i + NBUF - 1

        if j < MAXI:
            @pl.when(guard(j))
            def _issue_next(i=i, j=j):
                b = j % NBUF
                if j - NBUF >= 0:
                    outs[j - NBUF].wait()
                gathers[j] = pltpu.async_copy(
                    table_sh.at[idx_v[j]], rows_v[b], sem_g[b])

        @pl.when(guard(i))
        def _finish(i=i, k=k):
            gathers[i].wait()
            outs[i] = pltpu.async_copy(rows_v[i % NBUF], out_hbm.at[k],
                                       sem_o[i % NBUF])

    for i in range(max(0, MAXI - NBUF - 1), MAXI):
        k = wid + i * NW

        @pl.when((k < NCHUNK) & (k + NBUF * NW >= NCHUNK))
        def _drain(i=i):
            outs[i].wait()


@jax.jit
def _embed(idx2, embedding):
    mesh = plsc.VectorSubcoreMesh(core_axis_name="c", subcore_axis_name="s")
    f = functools.partial(
        pl.kernel,
        out_type=jax.ShapeDtypeStruct((NCHUNK, CHUNK, D), jnp.float32),
        mesh=mesh,
        scratch_types=[
            pltpu.VMEM_SHARED((37, D), jnp.float32),
        ] + [pltpu.VMEM((CHUNK,), jnp.int32)] * MAXI
          + [pltpu.VMEM((CHUNK, D), jnp.float32)] * NBUF
          + [pltpu.SemaphoreType.DMA] * (1 + 2 * NBUF),
    )(_body)
    return f(idx2, embedding)


def kernel(inputs, embedding):
    out = _embed(inputs.reshape(NCHUNK, CHUNK), embedding)
    return out.reshape(N, D)

# --- scband reference (transcript-rebuilt; emitter-appended) ---
"""Pipeline reference for scband-atomic-num-embedding-88811333747480 (READ-ONLY COPY).

The authoritative reference and input builder live on the scoring server;
editing this copy changes nothing except your own understanding.
"""

import jax, jax.numpy as jnp
import numpy as np

N_ATOMS = 100000
NUM_FEATURES = 128
NUM_EMBEDDINGS = 36


def setup_inputs(seed: int = 0) -> dict:
    key = jax.random.key(seed)
    k_idx, k_emb = jax.random.split(key)
    # atomic numbers in [1, 36] (H .. Kr)
    inputs = jax.random.randint(k_idx, (N_ATOMS,), 1, NUM_EMBEDDINGS + 1, dtype=jnp.int64 if jax.config.jax_enable_x64 else jnp.int32).astype(jnp.int32)
    # flax.linen.Embed default init: variance_scaling(1.0, 'fan_in', 'normal', out_axis=0)
    embedding = (jax.random.normal(k_emb, (NUM_EMBEDDINGS, NUM_FEATURES), dtype=jnp.float32)
                 / jnp.sqrt(jnp.float32(NUM_FEATURES)))
    return {"inputs": inputs, "embedding": embedding}


def reference(inputs, embedding):
    # X = inputs; X = X - 1; return self.node_embed(X.astype(jnp.int32))
    X = inputs - 1
    return jnp.take(embedding, X.astype(jnp.int32), axis=0)

if __name__ == "__main__":
    import jax
    _d = setup_inputs()
    print(jax.jit(kernel)(*tuple(_d.values())))

</pallas_src>

<mosaic_0001>
#map = affine_map<(d0, d1) -> (0, 0)>
#map1 = affine_map<(d0, d1) -> (0, 0, 0)>
module attributes {stable_mosaic.version = 14 : i64} {
  func.func @_body(%arg0: i32, %arg1: i32, %arg2: memref<500x200xi32, #tpu.memory_space<hbm>>, %arg3: memref<36x128xf32, #tpu.memory_space<hbm>>, %arg4: memref<500x200x128xf32, #tpu.memory_space<hbm>>, %arg5: memref<37x128xf32, #tpu.memory_space<vmem_shared>>, %arg6: memref<200xi32, #tpu.memory_space<vmem>>, %arg7: memref<200xi32, #tpu.memory_space<vmem>>, %arg8: memref<200xi32, #tpu.memory_space<vmem>>, %arg9: memref<200xi32, #tpu.memory_space<vmem>>, %arg10: memref<200xi32, #tpu.memory_space<vmem>>, %arg11: memref<200xi32, #tpu.memory_space<vmem>>, %arg12: memref<200xi32, #tpu.memory_space<vmem>>, %arg13: memref<200xi32, #tpu.memory_space<vmem>>, %arg14: memref<200xi32, #tpu.memory_space<vmem>>, %arg15: memref<200xi32, #tpu.memory_space<vmem>>, %arg16: memref<200xi32, #tpu.memory_space<vmem>>, %arg17: memref<200xi32, #tpu.memory_space<vmem>>, %arg18: memref<200xi32, #tpu.memory_space<vmem>>, %arg19: memref<200xi32, #tpu.memory_space<vmem>>, %arg20: memref<200xi32, #tpu.memory_space<vmem>>, %arg21: memref<200xi32, #tpu.memory_space<vmem>>, %arg22: memref<200x128xf32, #tpu.memory_space<vmem>>, %arg23: memref<200x128xf32, #tpu.memory_space<vmem>>, %arg24: memref<200x128xf32, #tpu.memory_space<vmem>>, %arg25: memref<200x128xf32, #tpu.memory_space<vmem>>, %arg26: memref<!tpu.dma_semaphore, #tpu.memory_space<semaphore_mem>>, %arg27: memref<!tpu.dma_semaphore, #tpu.memory_space<semaphore_mem>>, %arg28: memref<!tpu.dma_semaphore, #tpu.memory_space<semaphore_mem>>, %arg29: memref<!tpu.dma_semaphore, #tpu.memory_space<semaphore_mem>>, %arg30: memref<!tpu.dma_semaphore, #tpu.memory_space<semaphore_mem>>, %arg31: memref<!tpu.dma_semaphore, #tpu.memory_space<semaphore_mem>>, %arg32: memref<!tpu.dma_semaphore, #tpu.memory_space<semaphore_mem>>, %arg33: memref<!tpu.dma_semaphore, #tpu.memory_space<semaphore_mem>>, %arg34: memref<!tpu.dma_semaphore, #tpu.memory_space<semaphore_mem>>) attributes {dimension_semantics = [#tpu.dimension_semantics<core_parallel>, #tpu.dimension_semantics<subcore_parallel>], iteration_bounds = array<i64: 2, 16>, scalar_prefetch = 0 : i64, scratch_operands = 30 : i64, tpu.core_type = #tpu.core_type<sc_vector_subcore>, window_params = [{transform_indices = #map}, {transform_indices = #map}, {transform_indices = #map1}]} {
    %mul3A = arith.constant 2 : i32
    %mul3A_0 = arith.muli %arg1, %mul3A : i32
    %add3A = arith.addi %mul3A_0, %arg0 : i32
    %add3A_1 = arith.constant 0 : i32
    %add3A_2 = arith.addi %add3A, %add3A_1 : i32
    %add3A_3 = arith.constant 0 : i32
    %add3A_4 = arith.addi %add3A, %add3A_3 : i32
    %lt3A = arith.constant 500 : i32
    %lt3A_5 = arith.cmpi slt, %add3A_4, %lt3A : i32
    %convert_element_type3A = arith.extui %lt3A_5 : i1 to i32
    %cond3A = arith.constant 0 : i32
    %cond3A_6 = arith.cmpi ne, %convert_element_type3A, %cond3A : i32
    scf.if %cond3A_6 {
      %dma_start3A = arith.constant 0 : i32
      %dma_start3A_572 = tpu.memref_slice %arg2[%add3A_2, %dma_start3A] : memref<500x200xi32, #tpu.memory_space<hbm>> -> memref<1x200xi32, #tpu.memory_space<hbm>>
      %dma_start3A_573 = tpu.memref_squeeze %dma_start3A_572 : memref<1x200xi32, #tpu.memory_space<hbm>> -> memref<200xi32, #tpu.memory_space<hbm>>
      %dma_start3A_574 = arith.constant 0 : i32
      %dma_start3A_575 = tpu.memref_slice %arg2[%add3A_2, %dma_start3A_574] : memref<500x200xi32, #tpu.memory_space<hbm>> -> memref<1x200xi32, #tpu.memory_space<hbm>>
      %dma_start3A_576 = tpu.memref_squeeze %dma_start3A_575 : memref<1x200xi32, #tpu.memory_space<hbm>> -> memref<200xi32, #tpu.memory_space<hbm>>
      tpu.enqueue_dma source(%dma_start3A_576 : memref<200xi32, #tpu.memory_space<hbm>>) target(%arg6 : memref<200xi32, #tpu.memory_space<vmem>>) target_semaphore(%arg26 : memref<!tpu.dma_semaphore, #tpu.memory_space<semaphore_mem>>)
    } else {
    }
    %add3A_7 = arith.constant 32 : i32
    %add3A_8 = arith.addi %add3A, %add3A_7 : i32
    %add3A_9 = arith.constant 32 : i32
    %add3A_10 = arith.addi %add3A, %add3A_9 : i32
    %lt3A_11 = arith.constant 500 : i32
    %lt3A_12 = arith.cmpi slt, %add3A_10, %lt3A_11 : i32
    %convert_element_type3A_13 = arith.extui %lt3A_12 : i1 to i32
    %cond3A_14 = arith.constant 0 : i32
    %cond3A_15 = arith.cmpi ne, %convert_element_type3A_13, %cond3A_14 : i32
    scf.if %cond3A_15 {
      %dma_start3A = arith.constant 0 : i32
      %dma_start3A_572 = tpu.memref_slice %arg2[%add3A_8, %dma_start3A] : memref<500x200xi32, #tpu.memory_space<hbm>> -> memref<1x200xi32, #tpu.memory_space<hbm>>
      %dma_start3A_573 = tpu.memref_squeeze %dma_start3A_572 : memref<1x200xi32, #tpu.memory_space<hbm>> -> memref<200xi32, #tpu.memory_space<hbm>>
      %dma_start3A_574 = arith.constant 0 : i32
      %dma_start3A_575 = tpu.memref_slice %arg2[%add3A_8, %dma_start3A_574] : memref<500x200xi32, #tpu.memory_space<hbm>> -> memref<1x200xi32, #tpu.memory_space<hbm>>
      %dma_start3A_576 = tpu.memref_squeeze %dma_start3A_575 : memref<1x200xi32, #tpu.memory_space<hbm>> -> memref<200xi32, #tpu.memory_space<hbm>>
      tpu.enqueue_dma source(%dma_start3A_576 : memref<200xi32, #tpu.memory_space<hbm>>) target(%arg7 : memref<200xi32, #tpu.memory_space<vmem>>) target_semaphore(%arg26 : memref<!tpu.dma_semaphore, #tpu.memory_space<semaphore_mem>>)
    } else {
    }
    %add3A_16 = arith.constant 64 : i32
    %add3A_17 = arith.addi %add3A, %add3A_16 : i32
    %add3A_18 = arith.constant 64 : i32
    %add3A_19 = arith.addi %add3A, %add3A_18 : i32
    %lt3A_20 = arith.constant 500 : i32
    %lt3A_21 = arith.cmpi slt, %add3A_19, %lt3A_20 : i32
    %convert_element_type3A_22 = arith.extui %lt3A_21 : i1 to i32
    %cond3A_23 = arith.constant 0 : i32
    %cond3A_24 = arith.cmpi ne, %convert_element_type3A_22, %cond3A_23 : i32
    scf.if %cond3A_24 {
      %dma_start3A = arith.constant 0 : i32
      %dma_start3A_572 = tpu.memref_slice %arg2[%add3A_17, %dma_start3A] : memref<500x200xi32, #tpu.memory_space<hbm>> -> memref<1x200xi32, #tpu.memory_space<hbm>>
      %dma_start3A_573 = tpu.memref_squeeze %dma_start3A_572 : memref<1x200xi32, #tpu.memory_space<hbm>> -> memref<200xi32, #tpu.memory_space<hbm>>
      %dma_start3A_574 = arith.constant 0 : i32
      %dma_start3A_575 = tpu.memref_slice %arg2[%add3A_17, %dma_start3A_574] : memref<500x200xi32, #tpu.memory_space<hbm>> -> memref<1x200xi32, #tpu.memory_space<hbm>>
      %dma_start3A_576 = tpu.memref_squeeze %dma_start3A_575 : memref<1x200xi32, #tpu.memory_space<hbm>> -> memref<200xi32, #tpu.memory_space<hbm>>
      tpu.enqueue_dma source(%dma_start3A_576 : memref<200xi32, #tpu.memory_space<hbm>>) target(%arg8 : memref<200xi32, #tpu.memory_space<vmem>>) target_semaphore(%arg26 : memref<!tpu.dma_semaphore, #tpu.memory_space<semaphore_mem>>)
    } else {
    }
    %add3A_25 = arith.constant 96 : i32
    %add3A_26 = arith.addi %add3A, %add3A_25 : i32
    %add3A_27 = arith.constant 96 : i32
    %add3A_28 = arith.addi %add3A, %add3A_27 : i32
    %lt3A_29 = arith.constant 500 : i32
    %lt3A_30 = arith.cmpi slt, %add3A_28, %lt3A_29 : i32
    %convert_element_type3A_31 = arith.extui %lt3A_30 : i1 to i32
    %cond3A_32 = arith.constant 0 : i32
    %cond3A_33 = arith.cmpi ne, %convert_element_type3A_31, %cond3A_32 : i32
    scf.if %cond3A_33 {
      %dma_start3A = arith.constant 0 : i32
      %dma_start3A_572 = tpu.memref_slice %arg2[%add3A_26, %dma_start3A] : memref<500x200xi32, #tpu.memory_space<hbm>> -> memref<1x200xi32, #tpu.memory_space<hbm>>
      %dma_start3A_573 = tpu.memref_squeeze %dma_start3A_572 : memref<1x200xi32, #tpu.memory_space<hbm>> -> memref<200xi32, #tpu.memory_space<hbm>>
      %dma_start3A_574 = arith.constant 0 : i32
      %dma_start3A_575 = tpu.memref_slice %arg2[%add3A_26, %dma_start3A_574] : memref<500x200xi32, #tpu.memory_space<hbm>> -> memref<1x200xi32, #tpu.memory_space<hbm>>
      %dma_start3A_576 = tpu.memref_squeeze %dma_start3A_575 : memref<1x200xi32, #tpu.memory_space<hbm>> -> memref<200xi32, #tpu.memory_space<hbm>>
      tpu.enqueue_dma source(%dma_start3A_576 : memref<200xi32, #tpu.memory_space<hbm>>) target(%arg9 : memref<200xi32, #tpu.memory_space<vmem>>) target_semaphore(%arg26 : memref<!tpu.dma_semaphore, #tpu.memory_space<semaphore_mem>>)
    } else {
    }
    %add3A_34 = arith.constant 128 : i32
    %add3A_35 = arith.addi %add3A, %add3A_34 : i32
    %add3A_36 = arith.constant 128 : i32
    %add3A_37 = arith.addi %add3A, %add3A_36 : i32
    %lt3A_38 = arith.constant 500 : i32
    %lt3A_39 = arith.cmpi slt, %add3A_37, %lt3A_38 : i32
    %convert_element_type3A_40 = arith.extui %lt3A_39 : i1 to i32
    %cond3A_41 = arith.constant 0 : i32
    %cond3A_42 = arith.cmpi ne, %convert_element_type3A_40, %cond3A_41 : i32
    scf.if %cond3A_42 {
      %dma_start3A = arith.constant 0 : i32
      %dma_start3A_572 = tpu.memref_slice %arg2[%add3A_35, %dma_start3A] : memref<500x200xi32, #tpu.memory_space<hbm>> -> memref<1x200xi32, #tpu.memory_space<hbm>>
      %dma_start3A_573 = tpu.memref_squeeze %dma_start3A_572 : memref<1x200xi32, #tpu.memory_space<hbm>> -> memref<200xi32, #tpu.memory_space<hbm>>
      %dma_start3A_574 = arith.constant 0 : i32
      %dma_start3A_575 = tpu.memref_slice %arg2[%add3A_35, %dma_start3A_574] : memref<500x200xi32, #tpu.memory_space<hbm>> -> memref<1x200xi32, #tpu.memory_space<hbm>>
      %dma_start3A_576 = tpu.memref_squeeze %dma_start3A_575 : memref<1x200xi32, #tpu.memory_space<hbm>> -> memref<200xi32, #tpu.memory_space<hbm>>
      tpu.enqueue_dma source(%dma_start3A_576 : memref<200xi32, #tpu.memory_space<hbm>>) target(%arg10 : memref<200xi32, #tpu.memory_space<vmem>>) target_semaphore(%arg26 : memref<!tpu.dma_semaphore, #tpu.memory_space<semaphore_mem>>)
    } else {
    }
    %add3A_43 = arith.constant 160 : i32
    %add3A_44 = arith.addi %add3A, %add3A_43 : i32
    %add3A_45 = arith.constant 160 : i32
    %add3A_46 = arith.addi %add3A, %add3A_45 : i32
    %lt3A_47 = arith.constant 500 : i32
    %lt3A_48 = arith.cmpi slt, %add3A_46, %lt3A_47 : i32
    %convert_element_type3A_49 = arith.extui %lt3A_48 : i1 to i32
    %cond3A_50 = arith.constant 0 : i32
    %cond3A_51 = arith.cmpi ne, %convert_element_type3A_49, %cond3A_50 : i32
    scf.if %cond3A_51 {
      %dma_start3A = arith.constant 0 : i32
      %dma_start3A_572 = tpu.memref_slice %arg2[%add3A_44, %dma_start3A] : memref<500x200xi32, #tpu.memory_space<hbm>> -> memref<1x200xi32, #tpu.memory_space<hbm>>
      %dma_start3A_573 = tpu.memref_squeeze %dma_start3A_572 : memref<1x200xi32, #tpu.memory_space<hbm>> -> memref<200xi32, #tpu.memory_space<hbm>>
      %dma_start3A_574 = arith.constant 0 : i32
      %dma_start3A_575 = tpu.memref_slice %arg2[%add3A_44, %dma_start3A_574] : memref<500x200xi32, #tpu.memory_space<hbm>> -> memref<1x200xi32, #tpu.memory_space<hbm>>
      %dma_start3A_576 = tpu.memref_squeeze %dma_start3A_575 : memref<1x200xi32, #tpu.memory_space<hbm>> -> memref<200xi32, #tpu.memory_space<hbm>>
      tpu.enqueue_dma source(%dma_start3A_576 : memref<200xi32, #tpu.memory_space<hbm>>) target(%arg11 : memref<200xi32, #tpu.memory_space<vmem>>) target_semaphore(%arg26 : memref<!tpu.dma_semaphore, #tpu.memory_space<semaphore_mem>>)
    } else {
    }
    %add3A_52 = arith.constant 192 : i32
    %add3A_53 = arith.addi %add3A, %add3A_52 : i32
    %add3A_54 = arith.constant 192 : i32
    %add3A_55 = arith.addi %add3A, %add3A_54 : i32
    %lt3A_56 = arith.constant 500 : i32
    %lt3A_57 = arith.cmpi slt, %add3A_55, %lt3A_56 : i32
    %convert_element_type3A_58 = arith.extui %lt3A_57 : i1 to i32
    %cond3A_59 = arith.constant 0 : i32
    %cond3A_60 = arith.cmpi ne, %convert_element_type3A_58, %cond3A_59 : i32
    scf.if %cond3A_60 {
      %dma_start3A = arith.constant 0 : i32
      %dma_start3A_572 = tpu.memref_slice %arg2[%add3A_53, %dma_start3A] : memref<500x200xi32, #tpu.memory_space<hbm>> -> memref<1x200xi32, #tpu.memory_space<hbm>>
      %dma_start3A_573 = tpu.memref_squeeze %dma_start3A_572 : memref<1x200xi32, #tpu.memory_space<hbm>> -> memref<200xi32, #tpu.memory_space<hbm>>
      %dma_start3A_574 = arith.constant 0 : i32
      %dma_start3A_575 = tpu.memref_slice %arg2[%add3A_53, %dma_start3A_574] : memref<500x200xi32, #tpu.memory_space<hbm>> -> memref<1x200xi32, #tpu.memory_space<hbm>>
      %dma_start3A_576 = tpu.memref_squeeze %dma_start3A_575 : memref<1x200xi32, #tpu.memory_space<hbm>> -> memref<200xi32, #tpu.memory_space<hbm>>
      tpu.enqueue_dma source(%dma_start3A_576 : memref<200xi32, #tpu.memory_space<hbm>>) target(%arg12 : memref<200xi32, #tpu.memory_space<vmem>>) target_semaphore(%arg26 : memref<!tpu.dma_semaphore, #tpu.memory_space<semaphore_mem>>)
    } else {
    }
    %add3A_61 = arith.constant 224 : i32
    %add3A_62 = arith.addi %add3A, %add3A_61 : i32
    %add3A_63 = arith.constant 224 : i32
    %add3A_64 = arith.addi %add3A, %add3A_63 : i32
    %lt3A_65 = arith.constant 500 : i32
    %lt3A_66 = arith.cmpi slt, %add3A_64, %lt3A_65 : i32
    %convert_element_type3A_67 = arith.extui %lt3A_66 : i1 to i32
    %cond3A_68 = arith.constant 0 : i32
    %cond3A_69 = arith.cmpi ne, %convert_element_type3A_67, %cond3A_68 : i32
    scf.if %cond3A_69 {
      %dma_start3A = arith.constant 0 : i32
      %dma_start3A_572 = tpu.memref_slice %arg2[%add3A_62, %dma_start3A] : memref<500x200xi32, #tpu.memory_space<hbm>> -> memref<1x200xi32, #tpu.memory_space<hbm>>
      %dma_start3A_573 = tpu.memref_squeeze %dma_start3A_572 : memref<1x200xi32, #tpu.memory_space<hbm>> -> memref<200xi32, #tpu.memory_space<hbm>>
      %dma_start3A_574 = arith.constant 0 : i32
      %dma_start3A_575 = tpu.memref_slice %arg2[%add3A_62, %dma_start3A_574] : memref<500x200xi32, #tpu.memory_space<hbm>> -> memref<1x200xi32, #tpu.memory_space<hbm>>
      %dma_start3A_576 = tpu.memref_squeeze %dma_start3A_575 : memref<1x200xi32, #tpu.memory_space<hbm>> -> memref<200xi32, #tpu.memory_space<hbm>>
      tpu.enqueue_dma source(%dma_start3A_576 : memref<200xi32, #tpu.memory_space<hbm>>) target(%arg13 : memref<200xi32, #tpu.memory_space<vmem>>) target_semaphore(%arg26 : memref<!tpu.dma_semaphore, #tpu.memory_space<semaphore_mem>>)
    } else {
    }
    %add3A_70 = arith.constant 256 : i32
    %add3A_71 = arith.addi %add3A, %add3A_70 : i32
    %add3A_72 = arith.constant 256 : i32
    %add3A_73 = arith.addi %add3A, %add3A_72 : i32
    %lt3A_74 = arith.constant 500 : i32
    %lt3A_75 = arith.cmpi slt, %add3A_73, %lt3A_74 : i32
    %convert_element_type3A_76 = arith.extui %lt3A_75 : i1 to i32
    %cond3A_77 = arith.constant 0 : i32
    %cond3A_78 = arith.cmpi ne, %convert_element_type3A_76, %cond3A_77 : i32
    scf.if %cond3A_78 {
      %dma_start3A = arith.constant 0 : i32
      %dma_start3A_572 = tpu.memref_slice %arg2[%add3A_71, %dma_start3A] : memref<500x200xi32, #tpu.memory_space<hbm>> -> memref<1x200xi32, #tpu.memory_space<hbm>>
      %dma_start3A_573 = tpu.memref_squeeze %dma_start3A_572 : memref<1x200xi32, #tpu.memory_space<hbm>> -> memref<200xi32, #tpu.memory_space<hbm>>
      %dma_start3A_574 = arith.constant 0 : i32
      %dma_start3A_575 = tpu.memref_slice %arg2[%add3A_71, %dma_start3A_574] : memref<500x200xi32, #tpu.memory_space<hbm>> -> memref<1x200xi32, #tpu.memory_space<hbm>>
      %dma_start3A_576 = tpu.memref_squeeze %dma_start3A_575 : memref<1x200xi32, #tpu.memory_space<hbm>> -> memref<200xi32, #tpu.memory_space<hbm>>
      tpu.enqueue_dma source(%dma_start3A_576 : memref<200xi32, #tpu.memory_space<hbm>>) target(%arg14 : memref<200xi32, #tpu.memory_space<vmem>>) target_semaphore(%arg26 : memref<!tpu.dma_semaphore, #tpu.memory_space<semaphore_mem>>)
    } else {
    }
    %add3A_79 = arith.constant 288 : i32
    %add3A_80 = arith.addi %add3A, %add3A_79 : i32
    %add3A_81 = arith.constant 288 : i32
    %add3A_82 = arith.addi %add3A, %add3A_81 : i32
    %lt3A_83 = arith.constant 500 : i32
    %lt3A_84 = arith.cmpi slt, %add3A_82, %lt3A_83 : i32
    %convert_element_type3A_85 = arith.extui %lt3A_84 : i1 to i32
    %cond3A_86 = arith.constant 0 : i32
    %cond3A_87 = arith.cmpi ne, %convert_element_type3A_85, %cond3A_86 : i32
    scf.if %cond3A_87 {
      %dma_start3A = arith.constant 0 : i32
      %dma_start3A_572 = tpu.memref_slice %arg2[%add3A_80, %dma_start3A] : memref<500x200xi32, #tpu.memory_space<hbm>> -> memref<1x200xi32, #tpu.memory_space<hbm>>
      %dma_start3A_573 = tpu.memref_squeeze %dma_start3A_572 : memref<1x200xi32, #tpu.memory_space<hbm>> -> memref<200xi32, #tpu.memory_space<hbm>>
      %dma_start3A_574 = arith.constant 0 : i32
      %dma_start3A_575 = tpu.memref_slice %arg2[%add3A_80, %dma_start3A_574] : memref<500x200xi32, #tpu.memory_space<hbm>> -> memref<1x200xi32, #tpu.memory_space<hbm>>
      %dma_start3A_576 = tpu.memref_squeeze %dma_start3A_575 : memref<1x200xi32, #tpu.memory_space<hbm>> -> memref<200xi32, #tpu.memory_space<hbm>>
      tpu.enqueue_dma source(%dma_start3A_576 : memref<200xi32, #tpu.memory_space<hbm>>) target(%arg15 : memref<200xi32, #tpu.memory_space<vmem>>) target_semaphore(%arg26 : memref<!tpu.dma_semaphore, #tpu.memory_space<semaphore_mem>>)
    } else {
    }
    %add3A_88 = arith.constant 320 : i32
    %add3A_89 = arith.addi %add3A, %add3A_88 : i32
    %add3A_90 = arith.constant 320 : i32
    %add3A_91 = arith.addi %add3A, %add3A_90 : i32
    %lt3A_92 = arith.constant 500 : i32
    %lt3A_93 = arith.cmpi slt, %add3A_91, %lt3A_92 : i32
    %convert_element_type3A_94 = arith.extui %lt3A_93 : i1 to i32
    %cond3A_95 = arith.constant 0 : i32
    %cond3A_96 = arith.cmpi ne, %convert_element_type3A_94, %cond3A_95 : i32
    scf.if %cond3A_96 {
      %dma_start3A = arith.constant 0 : i32
      %dma_start3A_572 = tpu.memref_slice %arg2[%add3A_89, %dma_start3A] : memref<500x200xi32, #tpu.memory_space<hbm>> -> memref<1x200xi32, #tpu.memory_space<hbm>>
      %dma_start3A_573 = tpu.memref_squeeze %dma_start3A_572 : memref<1x200xi32, #tpu.memory_space<hbm>> -> memref<200xi32, #tpu.memory_space<hbm>>
      %dma_start3A_574 = arith.constant 0 : i32
      %dma_start3A_575 = tpu.memref_slice %arg2[%add3A_89, %dma_start3A_574] : memref<500x200xi32, #tpu.memory_space<hbm>> -> memref<1x200xi32, #tpu.memory_space<hbm>>
      %dma_start3A_576 = tpu.memref_squeeze %dma_start3A_575 : memref<1x200xi32, #tpu.memory_space<hbm>> -> memref<200xi32, #tpu.memory_space<hbm>>
      tpu.enqueue_dma source(%dma_start3A_576 : memref<200xi32, #tpu.memory_space<hbm>>) target(%arg16 : memref<200xi32, #tpu.memory_space<vmem>>) target_semaphore(%arg26 : memref<!tpu.dma_semaphore, #tpu.memory_space<semaphore_mem>>)
    } else {
    }
    %add3A_97 = arith.constant 352 : i32
    %add3A_98 = arith.addi %add3A, %add3A_97 : i32
    %add3A_99 = arith.constant 352 : i32
    %add3A_100 = arith.addi %add3A, %add3A_99 : i32
    %lt3A_101 = arith.constant 500 : i32
    %lt3A_102 = arith.cmpi slt, %add3A_100, %lt3A_101 : i32
    %convert_element_type3A_103 = arith.extui %lt3A_102 : i1 to i32
    %cond3A_104 = arith.constant 0 : i32
    %cond3A_105 = arith.cmpi ne, %convert_element_type3A_103, %cond3A_104 : i32
    scf.if %cond3A_105 {
      %dma_start3A = arith.constant 0 : i32
      %dma_start3A_572 = tpu.memref_slice %arg2[%add3A_98, %dma_start3A] : memref<500x200xi32, #tpu.memory_space<hbm>> -> memref<1x200xi32, #tpu.memory_space<hbm>>
      %dma_start3A_573 = tpu.memref_squeeze %dma_start3A_572 : memref<1x200xi32, #tpu.memory_space<hbm>> -> memref<200xi32, #tpu.memory_space<hbm>>
      %dma_start3A_574 = arith.constant 0 : i32
      %dma_start3A_575 = tpu.memref_slice %arg2[%add3A_98, %dma_start3A_574] : memref<500x200xi32, #tpu.memory_space<hbm>> -> memref<1x200xi32, #tpu.memory_space<hbm>>
      %dma_start3A_576 = tpu.memref_squeeze %dma_start3A_575 : memref<1x200xi32, #tpu.memory_space<hbm>> -> memref<200xi32, #tpu.memory_space<hbm>>
      tpu.enqueue_dma source(%dma_start3A_576 : memref<200xi32, #tpu.memory_space<hbm>>) target(%arg17 : memref<200xi32, #tpu.memory_space<vmem>>) target_semaphore(%arg26 : memref<!tpu.dma_semaphore, #tpu.memory_space<semaphore_mem>>)
    } else {
    }
    %add3A_106 = arith.constant 384 : i32
    %add3A_107 = arith.addi %add3A, %add3A_106 : i32
    %add3A_108 = arith.constant 384 : i32
    %add3A_109 = arith.addi %add3A, %add3A_108 : i32
    %lt3A_110 = arith.constant 500 : i32
    %lt3A_111 = arith.cmpi slt, %add3A_109, %lt3A_110 : i32
    %convert_element_type3A_112 = arith.extui %lt3A_111 : i1 to i32
    %cond3A_113 = arith.constant 0 : i32
    %cond3A_114 = arith.cmpi ne, %convert_element_type3A_112, %cond3A_113 : i32
    scf.if %cond3A_114 {
      %dma_start3A = arith.constant 0 : i32
      %dma_start3A_572 = tpu.memref_slice %arg2[%add3A_107, %dma_start3A] : memref<500x200xi32, #tpu.memory_space<hbm>> -> memref<1x200xi32, #tpu.memory_space<hbm>>
      %dma_start3A_573 = tpu.memref_squeeze %dma_start3A_572 : memref<1x200xi32, #tpu.memory_space<hbm>> -> memref<200xi32, #tpu.memory_space<hbm>>
      %dma_start3A_574 = arith.constant 0 : i32
      %dma_start3A_575 = tpu.memref_slice %arg2[%add3A_107, %dma_start3A_574] : memref<500x200xi32, #tpu.memory_space<hbm>> -> memref<1x200xi32, #tpu.memory_space<hbm>>
      %dma_start3A_576 = tpu.memref_squeeze %dma_start3A_575 : memref<1x200xi32, #tpu.memory_space<hbm>> -> memref<200xi32, #tpu.memory_space<hbm>>
      tpu.enqueue_dma source(%dma_start3A_576 : memref<200xi32, #tpu.memory_space<hbm>>) target(%arg18 : memref<200xi32, #tpu.memory_space<vmem>>) target_semaphore(%arg26 : memref<!tpu.dma_semaphore, #tpu.memory_space<semaphore_mem>>)
    } else {
    }
    %add3A_115 = arith.constant 416 : i32
    %add3A_116 = arith.addi %add3A, %add3A_115 : i32
    %add3A_117 = arith.constant 416 : i32
    %add3A_118 = arith.addi %add3A, %add3A_117 : i32
    %lt3A_119 = arith.constant 500 : i32
    %lt3A_120 = arith.cmpi slt, %add3A_118, %lt3A_119 : i32
    %convert_element_type3A_121 = arith.extui %lt3A_120 : i1 to i32
    %cond3A_122 = arith.constant 0 : i32
    %cond3A_123 = arith.cmpi ne, %convert_element_type3A_121, %cond3A_122 : i32
    scf.if %cond3A_123 {
      %dma_start3A = arith.constant 0 : i32
      %dma_start3A_572 = tpu.memref_slice %arg2[%add3A_116, %dma_start3A] : memref<500x200xi32, #tpu.memory_space<hbm>> -> memref<1x200xi32, #tpu.memory_space<hbm>>
      %dma_start3A_573 = tpu.memref_squeeze %dma_start3A_572 : memref<1x200xi32, #tpu.memory_space<hbm>> -> memref<200xi32, #tpu.memory_space<hbm>>
      %dma_start3A_574 = arith.constant 0 : i32
      %dma_start3A_575 = tpu.memref_slice %arg2[%add3A_116, %dma_start3A_574] : memref<500x200xi32, #tpu.memory_space<hbm>> -> memref<1x200xi32, #tpu.memory_space<hbm>>
      %dma_start3A_576 = tpu.memref_squeeze %dma_start3A_575 : memref<1x200xi32, #tpu.memory_space<hbm>> -> memref<200xi32, #tpu.memory_space<hbm>>
      tpu.enqueue_dma source(%dma_start3A_576 : memref<200xi32, #tpu.memory_space<hbm>>) target(%arg19 : memref<200xi32, #tpu.memory_space<vmem>>) target_semaphore(%arg26 : memref<!tpu.dma_semaphore, #tpu.memory_space<semaphore_mem>>)
    } else {
    }
    %add3A_124 = arith.constant 448 : i32
    %add3A_125 = arith.addi %add3A, %add3A_124 : i32
    %add3A_126 = arith.constant 448 : i32
    %add3A_127 = arith.addi %add3A, %add3A_126 : i32
    %lt3A_128 = arith.constant 500 : i32
    %lt3A_129 = arith.cmpi slt, %add3A_127, %lt3A_128 : i32
    %convert_element_type3A_130 = arith.extui %lt3A_129 : i1 to i32
    %cond3A_131 = arith.constant 0 : i32
    %cond3A_132 = arith.cmpi ne, %convert_element_type3A_130, %cond3A_131 : i32
    scf.if %cond3A_132 {
      %dma_start3A = arith.constant 0 : i32
      %dma_start3A_572 = tpu.memref_slice %arg2[%add3A_125, %dma_start3A] : memref<500x200xi32, #tpu.memory_space<hbm>> -> memref<1x200xi32, #tpu.memory_space<hbm>>
      %dma_start3A_573 = tpu.memref_squeeze %dma_start3A_572 : memref<1x200xi32, #tpu.memory_space<hbm>> -> memref<200xi32, #tpu.memory_space<hbm>>
      %dma_start3A_574 = arith.constant 0 : i32
      %dma_start3A_575 = tpu.memref_slice %arg2[%add3A_125, %dma_start3A_574] : memref<500x200xi32, #tpu.memory_space<hbm>> -> memref<1x200xi32, #tpu.memory_space<hbm>>
      %dma_start3A_576 = tpu.memref_squeeze %dma_start3A_575 : memref<1x200xi32, #tpu.memory_space<hbm>> -> memref<200xi32, #tpu.memory_space<hbm>>
      tpu.enqueue_dma source(%dma_start3A_576 : memref<200xi32, #tpu.memory_space<hbm>>) target(%arg20 : memref<200xi32, #tpu.memory_space<vmem>>) target_semaphore(%arg26 : memref<!tpu.dma_semaphore, #tpu.memory_space<semaphore_mem>>)
    } else {
    }
    %add3A_133 = arith.constant 480 : i32
    %add3A_134 = arith.addi %add3A, %add3A_133 : i32
    %add3A_135 = arith.constant 480 : i32
    %add3A_136 = arith.addi %add3A, %add3A_135 : i32
    %lt3A_137 = arith.constant 500 : i32
    %lt3A_138 = arith.cmpi slt, %add3A_136, %lt3A_137 : i32
    %convert_element_type3A_139 = arith.extui %lt3A_138 : i1 to i32
    %cond3A_140 = arith.constant 0 : i32
    %cond3A_141 = arith.cmpi ne, %convert_element_type3A_139, %cond3A_140 : i32
    scf.if %cond3A_141 {
      %dma_start3A = arith.constant 0 : i32
      %dma_start3A_572 = tpu.memref_slice %arg2[%add3A_134, %dma_start3A] : memref<500x200xi32, #tpu.memory_space<hbm>> -> memref<1x200xi32, #tpu.memory_space<hbm>>
      %dma_start3A_573 = tpu.memref_squeeze %dma_start3A_572 : memref<1x200xi32, #tpu.memory_space<hbm>> -> memref<200xi32, #tpu.memory_space<hbm>>
      %dma_start3A_574 = arith.constant 0 : i32
      %dma_start3A_575 = tpu.memref_slice %arg2[%add3A_134, %dma_start3A_574] : memref<500x200xi32, #tpu.memory_space<hbm>> -> memref<1x200xi32, #tpu.memory_space<hbm>>
      %dma_start3A_576 = tpu.memref_squeeze %dma_start3A_575 : memref<1x200xi32, #tpu.memory_space<hbm>> -> memref<200xi32, #tpu.memory_space<hbm>>
      tpu.enqueue_dma source(%dma_start3A_576 : memref<200xi32, #tpu.memory_space<hbm>>) target(%arg21 : memref<200xi32, #tpu.memory_space<vmem>>) target_semaphore(%arg26 : memref<!tpu.dma_semaphore, #tpu.memory_space<semaphore_mem>>)
    } else {
    }
    %eq3A = arith.constant 0 : i32
    %eq3A_142 = arith.cmpi eq, %arg1, %eq3A : i32
    %convert_element_type3A_143 = arith.extui %eq3A_142 : i1 to i32
    %cond3A_144 = arith.constant 0 : i32
    %cond3A_145 = arith.cmpi ne, %convert_element_type3A_143, %cond3A_144 : i32
    scf.if %cond3A_145 {
      "tpu.region"() ({
        %run_scoped3A = tpu.sem_alloc : memref<!tpu.dma_semaphore, #tpu.memory_space<semaphore_mem>>
        %dma_start3A = arith.constant 1 : i32
        %dma_start3A_572 = arith.constant 0 : i32
        %dma_start3A_573 = tpu.memref_slice %arg5[%dma_start3A, %dma_start3A_572] : memref<37x128xf32, #tpu.memory_space<vmem_shared>> -> memref<36x128xf32, #tpu.memory_space<vmem_shared>>
        tpu.enqueue_dma source(%arg3 : memref<36x128xf32, #tpu.memory_space<hbm>>) target(%dma_start3A_573 : memref<36x128xf32, #tpu.memory_space<vmem_shared>>) target_semaphore(%run_scoped3A : memref<!tpu.dma_semaphore, #tpu.memory_space<semaphore_mem>>)
        %dma_wait3A = arith.constant 1 : i32
        %dma_wait3A_574 = arith.constant 0 : i32
        %dma_wait3A_575 = tpu.memref_slice %arg5[%dma_wait3A, %dma_wait3A_574] : memref<37x128xf32, #tpu.memory_space<vmem_shared>> -> memref<36x128xf32, #tpu.memory_space<vmem_shared>>
        tpu.wait_dma2 semaphore(%run_scoped3A : memref<!tpu.dma_semaphore, #tpu.memory_space<semaphore_mem>>) src(%arg3 : memref<36x128xf32, #tpu.memory_space<hbm>>) dst(%dma_wait3A_575 : memref<36x128xf32, #tpu.memory_space<vmem_shared>>)
        tpu.yield
      }) : () -> ()
    } else {
    }
    %barrier3A = arith.constant 0 : index
    tpu.barrier barrier_id(%barrier3A)
    %add3A_146 = arith.constant 0 : i32
    %add3A_147 = arith.addi %add3A, %add3A_146 : i32
    %lt3A_148 = arith.constant 500 : i32
    %lt3A_149 = arith.cmpi slt, %add3A_147, %lt3A_148 : i32
    %convert_element_type3A_150 = arith.extui %lt3A_149 : i1 to i32
    %cond3A_151 = arith.constant 0 : i32
    %cond3A_152 = arith.cmpi ne, %convert_element_type3A_150, %cond3A_151 : i32
    scf.if %cond3A_152 {
      %dma_wait3A = arith.constant 0 : i32
      %dma_wait3A_572 = tpu.memref_slice %arg2[%add3A_2, %dma_wait3A] : memref<500x200xi32, #tpu.memory_space<hbm>> -> memref<1x200xi32, #tpu.memory_space<hbm>>
      %dma_wait3A_573 = tpu.memref_squeeze %dma_wait3A_572 : memref<1x200xi32, #tpu.memory_space<hbm>> -> memref<200xi32, #tpu.memory_space<hbm>>
      %dma_wait3A_574 = arith.constant 0 : i32
      %dma_wait3A_575 = tpu.memref_slice %arg2[%add3A_2, %dma_wait3A_574] : memref<500x200xi32, #tpu.memory_space<hbm>> -> memref<1x200xi32, #tpu.memory_space<hbm>>
      %dma_wait3A_576 = tpu.memref_squeeze %dma_wait3A_575 : memref<1x200xi32, #tpu.memory_space<hbm>> -> memref<200xi32, #tpu.memory_space<hbm>>
      tpu.wait_dma2 semaphore(%arg26 : memref<!tpu.dma_semaphore, #tpu.memory_space<semaphore_mem>>) src(%dma_wait3A_576 : memref<200xi32, #tpu.memory_space<hbm>>) dst(%arg6 : memref<200xi32, #tpu.memory_space<vmem>>)
    } else {
    }
    %add3A_153 = arith.constant 32 : i32
    %add3A_154 = arith.addi %add3A, %add3A_153 : i32
    %lt3A_155 = arith.constant 500 : i32
    %lt3A_156 = arith.cmpi slt, %add3A_154, %lt3A_155 : i32
    %convert_element_type3A_157 = arith.extui %lt3A_156 : i1 to i32
    %cond3A_158 = arith.constant 0 : i32
    %cond3A_159 = arith.cmpi ne, %convert_element_type3A_157, %cond3A_158 : i32
    scf.if %cond3A_159 {
      %dma_wait3A = arith.constant 0 : i32
      %dma_wait3A_572 = tpu.memref_slice %arg2[%add3A_8, %dma_wait3A] : memref<500x200xi32, #tpu.memory_space<hbm>> -> memref<1x200xi32, #tpu.memory_space<hbm>>
      %dma_wait3A_573 = tpu.memref_squeeze %dma_wait3A_572 : memref<1x200xi32, #tpu.memory_space<hbm>> -> memref<200xi32, #tpu.memory_space<hbm>>
      %dma_wait3A_574 = arith.constant 0 : i32
      %dma_wait3A_575 = tpu.memref_slice %arg2[%add3A_8, %dma_wait3A_574] : memref<500x200xi32, #tpu.memory_space<hbm>> -> memref<1x200xi32, #tpu.memory_space<hbm>>
      %dma_wait3A_576 = tpu.memref_squeeze %dma_wait3A_575 : memref<1x200xi32, #tpu.memory_space<hbm>> -> memref<200xi32, #tpu.memory_space<hbm>>
      tpu.wait_dma2 semaphore(%arg26 : memref<!tpu.dma_semaphore, #tpu.memory_space<semaphore_mem>>) src(%dma_wait3A_576 : memref<200xi32, #tpu.memory_space<hbm>>) dst(%arg7 : memref<200xi32, #tpu.memory_space<vmem>>)
    } else {
    }
    %add3A_160 = arith.constant 64 : i32
    %add3A_161 = arith.addi %add3A, %add3A_160 : i32
    %lt3A_162 = arith.constant 500 : i32
    %lt3A_163 = arith.cmpi slt, %add3A_161, %lt3A_162 : i32
    %convert_element_type3A_164 = arith.extui %lt3A_163 : i1 to i32
    %cond3A_165 = arith.constant 0 : i32
    %cond3A_166 = arith.cmpi ne, %convert_element_type3A_164, %cond3A_165 : i32
    scf.if %cond3A_166 {
      %dma_wait3A = arith.constant 0 : i32
      %dma_wait3A_572 = tpu.memref_slice %arg2[%add3A_17, %dma_wait3A] : memref<500x200xi32, #tpu.memory_space<hbm>> -> memref<1x200xi32, #tpu.memory_space<hbm>>
      %dma_wait3A_573 = tpu.memref_squeeze %dma_wait3A_572 : memref<1x200xi32, #tpu.memory_space<hbm>> -> memref<200xi32, #tpu.memory_space<hbm>>
      %dma_wait3A_574 = arith.constant 0 : i32
      %dma_wait3A_575 = tpu.memref_slice %arg2[%add3A_17, %dma_wait3A_574] : memref<500x200xi32, #tpu.memory_space<hbm>> -> memref<1x200xi32, #tpu.memory_space<hbm>>
      %dma_wait3A_576 = tpu.memref_squeeze %dma_wait3A_575 : memref<1x200xi32, #tpu.memory_space<hbm>> -> memref<200xi32, #tpu.memory_space<hbm>>
      tpu.wait_dma2 semaphore(%arg26 : memref<!tpu.dma_semaphore, #tpu.memory_space<semaphore_mem>>) src(%dma_wait3A_576 : memref<200xi32, #tpu.memory_space<hbm>>) dst(%arg8 : memref<200xi32, #tpu.memory_space<vmem>>)
    } else {
    }
    %add3A_167 = arith.constant 96 : i32
    %add3A_168 = arith.addi %add3A, %add3A_167 : i32
    %lt3A_169 = arith.constant 500 : i32
    %lt3A_170 = arith.cmpi slt, %add3A_168, %lt3A_169 : i32
    %convert_element_type3A_171 = arith.extui %lt3A_170 : i1 to i32
    %cond3A_172 = arith.constant 0 : i32
    %cond3A_173 = arith.cmpi ne, %convert_element_type3A_171, %cond3A_172 : i32
    scf.if %cond3A_173 {
      %dma_wait3A = arith.constant 0 : i32
      %dma_wait3A_572 = tpu.memref_slice %arg2[%add3A_26, %dma_wait3A] : memref<500x200xi32, #tpu.memory_space<hbm>> -> memref<1x200xi32, #tpu.memory_space<hbm>>
      %dma_wait3A_573 = tpu.memref_squeeze %dma_wait3A_572 : memref<1x200xi32, #tpu.memory_space<hbm>> -> memref<200xi32, #tpu.memory_space<hbm>>
      %dma_wait3A_574 = arith.constant 0 : i32
      %dma_wait3A_575 = tpu.memref_slice %arg2[%add3A_26, %dma_wait3A_574] : memref<500x200xi32, #tpu.memory_space<hbm>> -> memref<1x200xi32, #tpu.memory_space<hbm>>
      %dma_wait3A_576 = tpu.memref_squeeze %dma_wait3A_575 : memref<1x200xi32, #tpu.memory_space<hbm>> -> memref<200xi32, #tpu.memory_space<hbm>>
      tpu.wait_dma2 semaphore(%arg26 : memref<!tpu.dma_semaphore, #tpu.memory_space<semaphore_mem>>) src(%dma_wait3A_576 : memref<200xi32, #tpu.memory_space<hbm>>) dst(%arg9 : memref<200xi32, #tpu.memory_space<vmem>>)
    } else {
    }
    %add3A_174 = arith.constant 128 : i32
    %add3A_175 = arith.addi %add3A, %add3A_174 : i32
    %lt3A_176 = arith.constant 500 : i32
    %lt3A_177 = arith.cmpi slt, %add3A_175, %lt3A_176 : i32
    %convert_element_type3A_178 = arith.extui %lt3A_177 : i1 to i32
    %cond3A_179 = arith.constant 0 : i32
    %cond3A_180 = arith.cmpi ne, %convert_element_type3A_178, %cond3A_179 : i32
    scf.if %cond3A_180 {
      %dma_wait3A = arith.constant 0 : i32
      %dma_wait3A_572 = tpu.memref_slice %arg2[%add3A_35, %dma_wait3A] : memref<500x200xi32, #tpu.memory_space<hbm>> -> memref<1x200xi32, #tpu.memory_space<hbm>>
      %dma_wait3A_573 = tpu.memref_squeeze %dma_wait3A_572 : memref<1x200xi32, #tpu.memory_space<hbm>> -> memref<200xi32, #tpu.memory_space<hbm>>
      %dma_wait3A_574 = arith.constant 0 : i32
      %dma_wait3A_575 = tpu.memref_slice %arg2[%add3A_35, %dma_wait3A_574] : memref<500x200xi32, #tpu.memory_space<hbm>> -> memref<1x200xi32, #tpu.memory_space<hbm>>
      %dma_wait3A_576 = tpu.memref_squeeze %dma_wait3A_575 : memref<1x200xi32, #tpu.memory_space<hbm>> -> memref<200xi32, #tpu.memory_space<hbm>>
      tpu.wait_dma2 semaphore(%arg26 : memref<!tpu.dma_semaphore, #tpu.memory_space<semaphore_mem>>) src(%dma_wait3A_576 : memref<200xi32, #tpu.memory_space<hbm>>) dst(%arg10 : memref<200xi32, #tpu.memory_space<vmem>>)
    } else {
    }
    %add3A_181 = arith.constant 160 : i32
    %add3A_182 = arith.addi %add3A, %add3A_181 : i32
    %lt3A_183 = arith.constant 500 : i32
    %lt3A_184 = arith.cmpi slt, %add3A_182, %lt3A_183 : i32
    %convert_element_type3A_185 = arith.extui %lt3A_184 : i1 to i32
    %cond3A_186 = arith.constant 0 : i32
    %cond3A_187 = arith.cmpi ne, %convert_element_type3A_185, %cond3A_186 : i32
    scf.if %cond3A_187 {
      %dma_wait3A = arith.constant 0 : i32
      %dma_wait3A_572 = tpu.memref_slice %arg2[%add3A_44, %dma_wait3A] : memref<500x200xi32, #tpu.memory_space<hbm>> -> memref<1x200xi32, #tpu.memory_space<hbm>>
      %dma_wait3A_573 = tpu.memref_squeeze %dma_wait3A_572 : memref<1x200xi32, #tpu.memory_space<hbm>> -> memref<200xi32, #tpu.memory_space<hbm>>
      %dma_wait3A_574 = arith.constant 0 : i32
      %dma_wait3A_575 = tpu.memref_slice %arg2[%add3A_44, %dma_wait3A_574] : memref<500x200xi32, #tpu.memory_space<hbm>> -> memref<1x200xi32, #tpu.memory_space<hbm>>
      %dma_wait3A_576 = tpu.memref_squeeze %dma_wait3A_575 : memref<1x200xi32, #tpu.memory_space<hbm>> -> memref<200xi32, #tpu.memory_space<hbm>>
      tpu.wait_dma2 semaphore(%arg26 : memref<!tpu.dma_semaphore, #tpu.memory_space<semaphore_mem>>) src(%dma_wait3A_576 : memref<200xi32, #tpu.memory_space<hbm>>) dst(%arg11 : memref<200xi32, #tpu.memory_space<vmem>>)
    } else {
    }
    %add3A_188 = arith.constant 192 : i32
    %add3A_189 = arith.addi %add3A, %add3A_188 : i32
    %lt3A_190 = arith.constant 500 : i32
    %lt3A_191 = arith.cmpi slt, %add3A_189, %lt3A_190 : i32
    %convert_element_type3A_192 = arith.extui %lt3A_191 : i1 to i32
    %cond3A_193 = arith.constant 0 : i32
    %cond3A_194 = arith.cmpi ne, %convert_element_type3A_192, %cond3A_193 : i32
    scf.if %cond3A_194 {
      %dma_wait3A = arith.constant 0 : i32
      %dma_wait3A_572 = tpu.memref_slice %arg2[%add3A_53, %dma_wait3A] : memref<500x200xi32, #tpu.memory_space<hbm>> -> memref<1x200xi32, #tpu.memory_space<hbm>>
      %dma_wait3A_573 = tpu.memref_squeeze %dma_wait3A_572 : memref<1x200xi32, #tpu.memory_space<hbm>> -> memref<200xi32, #tpu.memory_space<hbm>>
      %dma_wait3A_574 = arith.constant 0 : i32
      %dma_wait3A_575 = tpu.memref_slice %arg2[%add3A_53, %dma_wait3A_574] : memref<500x200xi32, #tpu.memory_space<hbm>> -> memref<1x200xi32, #tpu.memory_space<hbm>>
      %dma_wait3A_576 = tpu.memref_squeeze %dma_wait3A_575 : memref<1x200xi32, #tpu.memory_space<hbm>> -> memref<200xi32, #tpu.memory_space<hbm>>
      tpu.wait_dma2 semaphore(%arg26 : memref<!tpu.dma_semaphore, #tpu.memory_space<semaphore_mem>>) src(%dma_wait3A_576 : memref<200xi32, #tpu.memory_space<hbm>>) dst(%arg12 : memref<200xi32, #tpu.memory_space<vmem>>)
    } else {
    }
    %add3A_195 = arith.constant 224 : i32
    %add3A_196 = arith.addi %add3A, %add3A_195 : i32
    %lt3A_197 = arith.constant 500 : i32
    %lt3A_198 = arith.cmpi slt, %add3A_196, %lt3A_197 : i32
    %convert_element_type3A_199 = arith.extui %lt3A_198 : i1 to i32
    %cond3A_200 = arith.constant 0 : i32
    %cond3A_201 = arith.cmpi ne, %convert_element_type3A_199, %cond3A_200 : i32
    scf.if %cond3A_201 {
      %dma_wait3A = arith.constant 0 : i32
      %dma_wait3A_572 = tpu.memref_slice %arg2[%add3A_62, %dma_wait3A] : memref<500x200xi32, #tpu.memory_space<hbm>> -> memref<1x200xi32, #tpu.memory_space<hbm>>
      %dma_wait3A_573 = tpu.memref_squeeze %dma_wait3A_572 : memref<1x200xi32, #tpu.memory_space<hbm>> -> memref<200xi32, #tpu.memory_space<hbm>>
      %dma_wait3A_574 = arith.constant 0 : i32
      %dma_wait3A_575 = tpu.memref_slice %arg2[%add3A_62, %dma_wait3A_574] : memref<500x200xi32, #tpu.memory_space<hbm>> -> memref<1x200xi32, #tpu.memory_space<hbm>>
      %dma_wait3A_576 = tpu.memref_squeeze %dma_wait3A_575 : memref<1x200xi32, #tpu.memory_space<hbm>> -> memref<200xi32, #tpu.memory_space<hbm>>
      tpu.wait_dma2 semaphore(%arg26 : memref<!tpu.dma_semaphore, #tpu.memory_space<semaphore_mem>>) src(%dma_wait3A_576 : memref<200xi32, #tpu.memory_space<hbm>>) dst(%arg13 : memref<200xi32, #tpu.memory_space<vmem>>)
    } else {
    }
    %add3A_202 = arith.constant 256 : i32
    %add3A_203 = arith.addi %add3A, %add3A_202 : i32
    %lt3A_204 = arith.constant 500 : i32
    %lt3A_205 = arith.cmpi slt, %add3A_203, %lt3A_204 : i32
    %convert_element_type3A_206 = arith.extui %lt3A_205 : i1 to i32
    %cond3A_207 = arith.constant 0 : i32
    %cond3A_208 = arith.cmpi ne, %convert_element_type3A_206, %cond3A_207 : i32
    scf.if %cond3A_208 {
      %dma_wait3A = arith.constant 0 : i32
      %dma_wait3A_572 = tpu.memref_slice %arg2[%add3A_71, %dma_wait3A] : memref<500x200xi32, #tpu.memory_space<hbm>> -> memref<1x200xi32, #tpu.memory_space<hbm>>
      %dma_wait3A_573 = tpu.memref_squeeze %dma_wait3A_572 : memref<1x200xi32, #tpu.memory_space<hbm>> -> memref<200xi32, #tpu.memory_space<hbm>>
      %dma_wait3A_574 = arith.constant 0 : i32
      %dma_wait3A_575 = tpu.memref_slice %arg2[%add3A_71, %dma_wait3A_574] : memref<500x200xi32, #tpu.memory_space<hbm>> -> memref<1x200xi32, #tpu.memory_space<hbm>>
      %dma_wait3A_576 = tpu.memref_squeeze %dma_wait3A_575 : memref<1x200xi32, #tpu.memory_space<hbm>> -> memref<200xi32, #tpu.memory_space<hbm>>
      tpu.wait_dma2 semaphore(%arg26 : memref<!tpu.dma_semaphore, #tpu.memory_space<semaphore_mem>>) src(%dma_wait3A_576 : memref<200xi32, #tpu.memory_space<hbm>>) dst(%arg14 : memref<200xi32, #tpu.memory_space<vmem>>)
    } else {
    }
    %add3A_209 = arith.constant 288 : i32
    %add3A_210 = arith.addi %add3A, %add3A_209 : i32
    %lt3A_211 = arith.constant 500 : i32
    %lt3A_212 = arith.cmpi slt, %add3A_210, %lt3A_211 : i32
    %convert_element_type3A_213 = arith.extui %lt3A_212 : i1 to i32
    %cond3A_214 = arith.constant 0 : i32
    %cond3A_215 = arith.cmpi ne, %convert_element_type3A_213, %cond3A_214 : i32
    scf.if %cond3A_215 {
      %dma_wait3A = arith.constant 0 : i32
      %dma_wait3A_572 = tpu.memref_slice %arg2[%add3A_80, %dma_wait3A] : memref<500x200xi32, #tpu.memory_space<hbm>> -> memref<1x200xi32, #tpu.memory_space<hbm>>
      %dma_wait3A_573 = tpu.memref_squeeze %dma_wait3A_572 : memref<1x200xi32, #tpu.memory_space<hbm>> -> memref<200xi32, #tpu.memory_space<hbm>>
      %dma_wait3A_574 = arith.constant 0 : i32
      %dma_wait3A_575 = tpu.memref_slice %arg2[%add3A_80, %dma_wait3A_574] : memref<500x200xi32, #tpu.memory_space<hbm>> -> memref<1x200xi32, #tpu.memory_space<hbm>>
      %dma_wait3A_576 = tpu.memref_squeeze %dma_wait3A_575 : memref<1x200xi32, #tpu.memory_space<hbm>> -> memref<200xi32, #tpu.memory_space<hbm>>
      tpu.wait_dma2 semaphore(%arg26 : memref<!tpu.dma_semaphore, #tpu.memory_space<semaphore_mem>>) src(%dma_wait3A_576 : memref<200xi32, #tpu.memory_space<hbm>>) dst(%arg15 : memref<200xi32, #tpu.memory_space<vmem>>)
    } else {
    }
    %add3A_216 = arith.constant 320 : i32
    %add3A_217 = arith.addi %add3A, %add3A_216 : i32
    %lt3A_218 = arith.constant 500 : i32
    %lt3A_219 = arith.cmpi slt, %add3A_217, %lt3A_218 : i32
    %convert_element_type3A_220 = arith.extui %lt3A_219 : i1 to i32
    %cond3A_221 = arith.constant 0 : i32
    %cond3A_222 = arith.cmpi ne, %convert_element_type3A_220, %cond3A_221 : i32
    scf.if %cond3A_222 {
      %dma_wait3A = arith.constant 0 : i32
      %dma_wait3A_572 = tpu.memref_slice %arg2[%add3A_89, %dma_wait3A] : memref<500x200xi32, #tpu.memory_space<hbm>> -> memref<1x200xi32, #tpu.memory_space<hbm>>
      %dma_wait3A_573 = tpu.memref_squeeze %dma_wait3A_572 : memref<1x200xi32, #tpu.memory_space<hbm>> -> memref<200xi32, #tpu.memory_space<hbm>>
      %dma_wait3A_574 = arith.constant 0 : i32
      %dma_wait3A_575 = tpu.memref_slice %arg2[%add3A_89, %dma_wait3A_574] : memref<500x200xi32, #tpu.memory_space<hbm>> -> memref<1x200xi32, #tpu.memory_space<hbm>>
      %dma_wait3A_576 = tpu.memref_squeeze %dma_wait3A_575 : memref<1x200xi32, #tpu.memory_space<hbm>> -> memref<200xi32, #tpu.memory_space<hbm>>
      tpu.wait_dma2 semaphore(%arg26 : memref<!tpu.dma_semaphore, #tpu.memory_space<semaphore_mem>>) src(%dma_wait3A_576 : memref<200xi32, #tpu.memory_space<hbm>>) dst(%arg16 : memref<200xi32, #tpu.memory_space<vmem>>)
    } else {
    }
    %add3A_223 = arith.constant 352 : i32
    %add3A_224 = arith.addi %add3A, %add3A_223 : i32
    %lt3A_225 = arith.constant 500 : i32
    %lt3A_226 = arith.cmpi slt, %add3A_224, %lt3A_225 : i32
    %convert_element_type3A_227 = arith.extui %lt3A_226 : i1 to i32
    %cond3A_228 = arith.constant 0 : i32
    %cond3A_229 = arith.cmpi ne, %convert_element_type3A_227, %cond3A_228 : i32
    scf.if %cond3A_229 {
      %dma_wait3A = arith.constant 0 : i32
      %dma_wait3A_572 = tpu.memref_slice %arg2[%add3A_98, %dma_wait3A] : memref<500x200xi32, #tpu.memory_space<hbm>> -> memref<1x200xi32, #tpu.memory_space<hbm>>
      %dma_wait3A_573 = tpu.memref_squeeze %dma_wait3A_572 : memref<1x200xi32, #tpu.memory_space<hbm>> -> memref<200xi32, #tpu.memory_space<hbm>>
      %dma_wait3A_574 = arith.constant 0 : i32
      %dma_wait3A_575 = tpu.memref_slice %arg2[%add3A_98, %dma_wait3A_574] : memref<500x200xi32, #tpu.memory_space<hbm>> -> memref<1x200xi32, #tpu.memory_space<hbm>>
      %dma_wait3A_576 = tpu.memref_squeeze %dma_wait3A_575 : memref<1x200xi32, #tpu.memory_space<hbm>> -> memref<200xi32, #tpu.memory_space<hbm>>
      tpu.wait_dma2 semaphore(%arg26 : memref<!tpu.dma_semaphore, #tpu.memory_space<semaphore_mem>>) src(%dma_wait3A_576 : memref<200xi32, #tpu.memory_space<hbm>>) dst(%arg17 : memref<200xi32, #tpu.memory_space<vmem>>)
    } else {
    }
    %add3A_230 = arith.constant 384 : i32
    %add3A_231 = arith.addi %add3A, %add3A_230 : i32
    %lt3A_232 = arith.constant 500 : i32
    %lt3A_233 = arith.cmpi slt, %add3A_231, %lt3A_232 : i32
    %convert_element_type3A_234 = arith.extui %lt3A_233 : i1 to i32
    %cond3A_235 = arith.constant 0 : i32
    %cond3A_236 = arith.cmpi ne, %convert_element_type3A_234, %cond3A_235 : i32
    scf.if %cond3A_236 {
      %dma_wait3A = arith.constant 0 : i32
      %dma_wait3A_572 = tpu.memref_slice %arg2[%add3A_107, %dma_wait3A] : memref<500x200xi32, #tpu.memory_space<hbm>> -> memref<1x200xi32, #tpu.memory_space<hbm>>
      %dma_wait3A_573 = tpu.memref_squeeze %dma_wait3A_572 : memref<1x200xi32, #tpu.memory_space<hbm>> -> memref<200xi32, #tpu.memory_space<hbm>>
      %dma_wait3A_574 = arith.constant 0 : i32
      %dma_wait3A_575 = tpu.memref_slice %arg2[%add3A_107, %dma_wait3A_574] : memref<500x200xi32, #tpu.memory_space<hbm>> -> memref<1x200xi32, #tpu.memory_space<hbm>>
      %dma_wait3A_576 = tpu.memref_squeeze %dma_wait3A_575 : memref<1x200xi32, #tpu.memory_space<hbm>> -> memref<200xi32, #tpu.memory_space<hbm>>
      tpu.wait_dma2 semaphore(%arg26 : memref<!tpu.dma_semaphore, #tpu.memory_space<semaphore_mem>>) src(%dma_wait3A_576 : memref<200xi32, #tpu.memory_space<hbm>>) dst(%arg18 : memref<200xi32, #tpu.memory_space<vmem>>)
    } else {
    }
    %add3A_237 = arith.constant 416 : i32
    %add3A_238 = arith.addi %add3A, %add3A_237 : i32
    %lt3A_239 = arith.constant 500 : i32
    %lt3A_240 = arith.cmpi slt, %add3A_238, %lt3A_239 : i32
    %convert_element_type3A_241 = arith.extui %lt3A_240 : i1 to i32
    %cond3A_242 = arith.constant 0 : i32
    %cond3A_243 = arith.cmpi ne, %convert_element_type3A_241, %cond3A_242 : i32
    scf.if %cond3A_243 {
      %dma_wait3A = arith.constant 0 : i32
      %dma_wait3A_572 = tpu.memref_slice %arg2[%add3A_116, %dma_wait3A] : memref<500x200xi32, #tpu.memory_space<hbm>> -> memref<1x200xi32, #tpu.memory_space<hbm>>
      %dma_wait3A_573 = tpu.memref_squeeze %dma_wait3A_572 : memref<1x200xi32, #tpu.memory_space<hbm>> -> memref<200xi32, #tpu.memory_space<hbm>>
      %dma_wait3A_574 = arith.constant 0 : i32
      %dma_wait3A_575 = tpu.memref_slice %arg2[%add3A_116, %dma_wait3A_574] : memref<500x200xi32, #tpu.memory_space<hbm>> -> memref<1x200xi32, #tpu.memory_space<hbm>>
      %dma_wait3A_576 = tpu.memref_squeeze %dma_wait3A_575 : memref<1x200xi32, #tpu.memory_space<hbm>> -> memref<200xi32, #tpu.memory_space<hbm>>
      tpu.wait_dma2 semaphore(%arg26 : memref<!tpu.dma_semaphore, #tpu.memory_space<semaphore_mem>>) src(%dma_wait3A_576 : memref<200xi32, #tpu.memory_space<hbm>>) dst(%arg19 : memref<200xi32, #tpu.memory_space<vmem>>)
    } else {
    }
    %add3A_244 = arith.constant 448 : i32
    %add3A_245 = arith.addi %add3A, %add3A_244 : i32
    %lt3A_246 = arith.constant 500 : i32
    %lt3A_247 = arith.cmpi slt, %add3A_245, %lt3A_246 : i32
    %convert_element_type3A_248 = arith.extui %lt3A_247 : i1 to i32
    %cond3A_249 = arith.constant 0 : i32
    %cond3A_250 = arith.cmpi ne, %convert_element_type3A_248, %cond3A_249 : i32
    scf.if %cond3A_250 {
      %dma_wait3A = arith.constant 0 : i32
      %dma_wait3A_572 = tpu.memref_slice %arg2[%add3A_125, %dma_wait3A] : memref<500x200xi32, #tpu.memory_space<hbm>> -> memref<1x200xi32, #tpu.memory_space<hbm>>
      %dma_wait3A_573 = tpu.memref_squeeze %dma_wait3A_572 : memref<1x200xi32, #tpu.memory_space<hbm>> -> memref<200xi32, #tpu.memory_space<hbm>>
      %dma_wait3A_574 = arith.constant 0 : i32
      %dma_wait3A_575 = tpu.memref_slice %arg2[%add3A_125, %dma_wait3A_574] : memref<500x200xi32, #tpu.memory_space<hbm>> -> memref<1x200xi32, #tpu.memory_space<hbm>>
      %dma_wait3A_576 = tpu.memref_squeeze %dma_wait3A_575 : memref<1x200xi32, #tpu.memory_space<hbm>> -> memref<200xi32, #tpu.memory_space<hbm>>
      tpu.wait_dma2 semaphore(%arg26 : memref<!tpu.dma_semaphore, #tpu.memory_space<semaphore_mem>>) src(%dma_wait3A_576 : memref<200xi32, #tpu.memory_space<hbm>>) dst(%arg20 : memref<200xi32, #tpu.memory_space<vmem>>)
    } else {
    }
    %add3A_251 = arith.constant 480 : i32
    %add3A_252 = arith.addi %add3A, %add3A_251 : i32
    %lt3A_253 = arith.constant 500 : i32
    %lt3A_254 = arith.cmpi slt, %add3A_252, %lt3A_253 : i32
    %convert_element_type3A_255 = arith.extui %lt3A_254 : i1 to i32
    %cond3A_256 = arith.constant 0 : i32
    %cond3A_257 = arith.cmpi ne, %convert_element_type3A_255, %cond3A_256 : i32
    scf.if %cond3A_257 {
      %dma_wait3A = arith.constant 0 : i32
      %dma_wait3A_572 = tpu.memref_slice %arg2[%add3A_134, %dma_wait3A] : memref<500x200xi32, #tpu.memory_space<hbm>> -> memref<1x200xi32, #tpu.memory_space<hbm>>
      %dma_wait3A_573 = tpu.memref_squeeze %dma_wait3A_572 : memref<1x200xi32, #tpu.memory_space<hbm>> -> memref<200xi32, #tpu.memory_space<hbm>>
      %dma_wait3A_574 = arith.constant 0 : i32
      %dma_wait3A_575 = tpu.memref_slice %arg2[%add3A_134, %dma_wait3A_574] : memref<500x200xi32, #tpu.memory_space<hbm>> -> memref<1x200xi32, #tpu.memory_space<hbm>>
      %dma_wait3A_576 = tpu.memref_squeeze %dma_wait3A_575 : memref<1x200xi32, #tpu.memory_space<hbm>> -> memref<200xi32, #tpu.memory_space<hbm>>
      tpu.wait_dma2 semaphore(%arg26 : memref<!tpu.dma_semaphore, #tpu.memory_space<semaphore_mem>>) src(%dma_wait3A_576 : memref<200xi32, #tpu.memory_space<hbm>>) dst(%arg21 : memref<200xi32, #tpu.memory_space<vmem>>)
    } else {
    }
    %add3A_258 = arith.constant 0 : i32
    %add3A_259 = arith.addi %add3A, %add3A_258 : i32
    %lt3A_260 = arith.constant 500 : i32
    %lt3A_261 = arith.cmpi slt, %add3A_259, %lt3A_260 : i32
    %convert_element_type3A_262 = arith.extui %lt3A_261 : i1 to i32
    %cond3A_263 = arith.constant 0 : i32
    %cond3A_264 = arith.cmpi ne, %convert_element_type3A_262, %cond3A_263 : i32
    scf.if %cond3A_264 {
      %dma_start3A = arith.constant 0 : i32
      %dma_start3A_572 = arith.constant 0 : i32
      %dma_start3A_573 = tpu.memref_slice %arg5[%dma_start3A, %dma_start3A_572] : memref<37x128xf32, #tpu.memory_space<vmem_shared>> -> memref<37x128xf32, #tpu.memory_space<vmem_shared>>
      tpu.enqueue_indirect_dma source(%dma_start3A_573 : memref<37x128xf32, #tpu.memory_space<vmem_shared>>) target(%arg22 : memref<200x128xf32, #tpu.memory_space<vmem>>) offsets(%arg6 : memref<200xi32, #tpu.memory_space<vmem>>) semaphore(%arg27 : memref<!tpu.dma_semaphore, #tpu.memory_space<semaphore_mem>>)
    } else {
    }
    %add3A_265 = arith.constant 32 : i32
    %add3A_266 = arith.addi %add3A, %add3A_265 : i32
    %lt3A_267 = arith.constant 500 : i32
    %lt3A_268 = arith.cmpi slt, %add3A_266, %lt3A_267 : i32
    %convert_element_type3A_269 = arith.extui %lt3A_268 : i1 to i32
    %cond3A_270 = arith.constant 0 : i32
    %cond3A_271 = arith.cmpi ne, %convert_element_type3A_269, %cond3A_270 : i32
    scf.if %cond3A_271 {
      %dma_start3A = arith.constant 0 : i32
      %dma_start3A_572 = arith.constant 0 : i32
      %dma_start3A_573 = tpu.memref_slice %arg5[%dma_start3A, %dma_start3A_572] : memref<37x128xf32, #tpu.memory_space<vmem_shared>> -> memref<37x128xf32, #tpu.memory_space<vmem_shared>>
      tpu.enqueue_indirect_dma source(%dma_start3A_573 : memref<37x128xf32, #tpu.memory_space<vmem_shared>>) target(%arg23 : memref<200x128xf32, #tpu.memory_space<vmem>>) offsets(%arg7 : memref<200xi32, #tpu.memory_space<vmem>>) semaphore(%arg28 : memref<!tpu.dma_semaphore, #tpu.memory_space<semaphore_mem>>)
    } else {
    }
    %add3A_272 = arith.constant 64 : i32
    %add3A_273 = arith.addi %add3A, %add3A_272 : i32
    %lt3A_274 = arith.constant 500 : i32
    %lt3A_275 = arith.cmpi slt, %add3A_273, %lt3A_274 : i32
    %convert_element_type3A_276 = arith.extui %lt3A_275 : i1 to i32
    %cond3A_277 = arith.constant 0 : i32
    %cond3A_278 = arith.cmpi ne, %convert_element_type3A_276, %cond3A_277 : i32
    scf.if %cond3A_278 {
      %dma_start3A = arith.constant 0 : i32
      %dma_start3A_572 = arith.constant 0 : i32
      %dma_start3A_573 = tpu.memref_slice %arg5[%dma_start3A, %dma_start3A_572] : memref<37x128xf32, #tpu.memory_space<vmem_shared>> -> memref<37x128xf32, #tpu.memory_space<vmem_shared>>
      tpu.enqueue_indirect_dma source(%dma_start3A_573 : memref<37x128xf32, #tpu.memory_space<vmem_shared>>) target(%arg24 : memref<200x128xf32, #tpu.memory_space<vmem>>) offsets(%arg8 : memref<200xi32, #tpu.memory_space<vmem>>) semaphore(%arg29 : memref<!tpu.dma_semaphore, #tpu.memory_space<semaphore_mem>>)
    } else {
    }
    %add3A_279 = arith.constant 0 : i32
    %add3A_280 = arith.addi %add3A, %add3A_279 : i32
    %add3A_281 = arith.constant 96 : i32
    %add3A_282 = arith.addi %add3A, %add3A_281 : i32
    %lt3A_283 = arith.constant 500 : i32
    %lt3A_284 = arith.cmpi slt, %add3A_282, %lt3A_283 : i32
    %convert_element_type3A_285 = arith.extui %lt3A_284 : i1 to i32
    %cond3A_286 = arith.constant 0 : i32
    %cond3A_287 = arith.cmpi ne, %convert_element_type3A_285, %cond3A_286 : i32
    scf.if %cond3A_287 {
      %dma_start3A = arith.constant 0 : i32
      %dma_start3A_572 = arith.constant 0 : i32
      %dma_start3A_573 = tpu.memref_slice %arg5[%dma_start3A, %dma_start3A_572] : memref<37x128xf32, #tpu.memory_space<vmem_shared>> -> memref<37x128xf32, #tpu.memory_space<vmem_shared>>
      tpu.enqueue_indirect_dma source(%dma_start3A_573 : memref<37x128xf32, #tpu.memory_space<vmem_shared>>) target(%arg25 : memref<200x128xf32, #tpu.memory_space<vmem>>) offsets(%arg9 : memref<200xi32, #tpu.memory_space<vmem>>) semaphore(%arg30 : memref<!tpu.dma_semaphore, #tpu.memory_space<semaphore_mem>>)
    } else {
    }
    %add3A_288 = arith.constant 0 : i32
    %add3A_289 = arith.addi %add3A, %add3A_288 : i32
    %lt3A_290 = arith.constant 500 : i32
    %lt3A_291 = arith.cmpi slt, %add3A_289, %lt3A_290 : i32
    %convert_element_type3A_292 = arith.extui %lt3A_291 : i1 to i32
    %cond3A_293 = arith.constant 0 : i32
    %cond3A_294 = arith.cmpi ne, %convert_element_type3A_292, %cond3A_293 : i32
    scf.if %cond3A_294 {
      %dma_wait3A = arith.constant 0 : i32
      %dma_wait3A_572 = arith.constant 0 : i32
      %dma_wait3A_573 = tpu.memref_slice %arg5[%dma_wait3A, %dma_wait3A_572] : memref<37x128xf32, #tpu.memory_space<vmem_shared>> -> memref<37x128xf32, #tpu.memory_space<vmem_shared>>
      tpu.wait_indirect_dma semaphore(%arg27 : memref<!tpu.dma_semaphore, #tpu.memory_space<semaphore_mem>>) src(%dma_wait3A_573 : memref<37x128xf32, #tpu.memory_space<vmem_shared>>) dst(%arg22 : memref<200x128xf32, #tpu.memory_space<vmem>>)
      %dma_start3A = arith.constant 0 : i32
      %dma_start3A_574 = arith.constant 0 : i32
      %dma_start3A_575 = tpu.memref_slice %arg4[%add3A_280, %dma_start3A, %dma_start3A_574] : memref<500x200x128xf32, #tpu.memory_space<hbm>> -> memref<1x200x128xf32, #tpu.memory_space<hbm>>
      %dma_start3A_576 = tpu.memref_squeeze %dma_start3A_575 : memref<1x200x128xf32, #tpu.memory_space<hbm>> -> memref<200x128xf32, #tpu.memory_space<hbm>>
      %dma_start3A_577 = arith.constant 0 : i32
      %dma_start3A_578 = arith.constant 0 : i32
      %dma_start3A_579 = tpu.memref_slice %arg4[%add3A_280, %dma_start3A_577, %dma_start3A_578] : memref<500x200x128xf32, #tpu.memory_space<hbm>> -> memref<1x200x128xf32, #tpu.memory_space<hbm>>
      %dma_start3A_580 = tpu.memref_squeeze %dma_start3A_579 : memref<1x200x128xf32, #tpu.memory_space<hbm>> -> memref<200x128xf32, #tpu.memory_space<hbm>>
      tpu.enqueue_dma source(%arg22 : memref<200x128xf32, #tpu.memory_space<vmem>>) target(%dma_start3A_580 : memref<200x128xf32, #tpu.memory_space<hbm>>) target_semaphore(%arg31 : memref<!tpu.dma_semaphore, #tpu.memory_space<semaphore_mem>>)
    } else {
    }
    %add3A_295 = arith.constant 32 : i32
    %add3A_296 = arith.addi %add3A, %add3A_295 : i32
    %add3A_297 = arith.constant 128 : i32
    %add3A_298 = arith.addi %add3A, %add3A_297 : i32
    %lt3A_299 = arith.constant 500 : i32
    %lt3A_300 = arith.cmpi slt, %add3A_298, %lt3A_299 : i32
    %convert_element_type3A_301 = arith.extui %lt3A_300 : i1 to i32
    %cond3A_302 = arith.constant 0 : i32
    %cond3A_303 = arith.cmpi ne, %convert_element_type3A_301, %cond3A_302 : i32
    scf.if %cond3A_303 {
      %dma_wait3A = arith.constant 0 : i32
      %dma_wait3A_572 = arith.constant 0 : i32
      %dma_wait3A_573 = tpu.memref_slice %arg4[%add3A_280, %dma_wait3A, %dma_wait3A_572] : memref<500x200x128xf32, #tpu.memory_space<hbm>> -> memref<1x200x128xf32, #tpu.memory_space<hbm>>
      %dma_wait3A_574 = tpu.memref_squeeze %dma_wait3A_573 : memref<1x200x128xf32, #tpu.memory_space<hbm>> -> memref<200x128xf32, #tpu.memory_space<hbm>>
      %dma_wait3A_575 = arith.constant 0 : i32
      %dma_wait3A_576 = arith.constant 0 : i32
      %dma_wait3A_577 = tpu.memref_slice %arg4[%add3A_280, %dma_wait3A_575, %dma_wait3A_576] : memref<500x200x128xf32, #tpu.memory_space<hbm>> -> memref<1x200x128xf32, #tpu.memory_space<hbm>>
      %dma_wait3A_578 = tpu.memref_squeeze %dma_wait3A_577 : memref<1x200x128xf32, #tpu.memory_space<hbm>> -> memref<200x128xf32, #tpu.memory_space<hbm>>
      tpu.wait_dma2 semaphore(%arg31 : memref<!tpu.dma_semaphore, #tpu.memory_space<semaphore_mem>>) src(%arg22 : memref<200x128xf32, #tpu.memory_space<vmem>>) dst(%dma_wait3A_578 : memref<200x128xf32, #tpu.memory_space<hbm>>)
      %dma_start3A = arith.constant 0 : i32
      %dma_start3A_579 = arith.constant 0 : i32
      %dma_start3A_580 = tpu.memref_slice %arg5[%dma_start3A, %dma_start3A_579] : memref<37x128xf32, #tpu.memory_space<vmem_shared>> -> memref<37x128xf32, #tpu.memory_space<vmem_shared>>
      tpu.enqueue_indirect_dma source(%dma_start3A_580 : memref<37x128xf32, #tpu.memory_space<vmem_shared>>) target(%arg22 : memref<200x128xf32, #tpu.memory_space<vmem>>) offsets(%arg10 : memref<200xi32, #tpu.memory_space<vmem>>) semaphore(%arg27 : memref<!tpu.dma_semaphore, #tpu.memory_space<semaphore_mem>>)
    } else {
    }
    %add3A_304 = arith.constant 32 : i32
    %add3A_305 = arith.addi %add3A, %add3A_304 : i32
    %lt3A_306 = arith.constant 500 : i32
    %lt3A_307 = arith.cmpi slt, %add3A_305, %lt3A_306 : i32
    %convert_element_type3A_308 = arith.extui %lt3A_307 : i1 to i32
    %cond3A_309 = arith.constant 0 : i32
    %cond3A_310 = arith.cmpi ne, %convert_element_type3A_308, %cond3A_309 : i32
    scf.if %cond3A_310 {
      %dma_wait3A = arith.constant 0 : i32
      %dma_wait3A_572 = arith.constant 0 : i32
      %dma_wait3A_573 = tpu.memref_slice %arg5[%dma_wait3A, %dma_wait3A_572] : memref<37x128xf32, #tpu.memory_space<vmem_shared>> -> memref<37x128xf32, #tpu.memory_space<vmem_shared>>
      tpu.wait_indirect_dma semaphore(%arg28 : memref<!tpu.dma_semaphore, #tpu.memory_space<semaphore_mem>>) src(%dma_wait3A_573 : memref<37x128xf32, #tpu.memory_space<vmem_shared>>) dst(%arg23 : memref<200x128xf32, #tpu.memory_space<vmem>>)
      %dma_start3A = arith.constant 0 : i32
      %dma_start3A_574 = arith.constant 0 : i32
      %dma_start3A_575 = tpu.memref_slice %arg4[%add3A_296, %dma_start3A, %dma_start3A_574] : memref<500x200x128xf32, #tpu.memory_space<hbm>> -> memref<1x200x128xf32, #tpu.memory_space<hbm>>
      %dma_start3A_576 = tpu.memref_squeeze %dma_start3A_575 : memref<1x200x128xf32, #tpu.memory_space<hbm>> -> memref<200x128xf32, #tpu.memory_space<hbm>>
      %dma_start3A_577 = arith.constant 0 : i32
      %dma_start3A_578 = arith.constant 0 : i32
      %dma_start3A_579 = tpu.memref_slice %arg4[%add3A_296, %dma_start3A_577, %dma_start3A_578] : memref<500x200x128xf32, #tpu.memory_space<hbm>> -> memref<1x200x128xf32, #tpu.memory_space<hbm>>
      %dma_start3A_580 = tpu.memref_squeeze %dma_start3A_579 : memref<1x200x128xf32, #tpu.memory_space<hbm>> -> memref<200x128xf32, #tpu.memory_space<hbm>>
      tpu.enqueue_dma source(%arg23 : memref<200x128xf32, #tpu.memory_space<vmem>>) target(%dma_start3A_580 : memref<200x128xf32, #tpu.memory_space<hbm>>) target_semaphore(%arg32 : memref<!tpu.dma_semaphore, #tpu.memory_space<semaphore_mem>>)
    } else {
    }
    %add3A_311 = arith.constant 64 : i32
    %add3A_312 = arith.addi %add3A, %add3A_311 : i32
    %add3A_313 = arith.constant 160 : i32
    %add3A_314 = arith.addi %add3A, %add3A_313 : i32
    %lt3A_315 = arith.constant 500 : i32
    %lt3A_316 = arith.cmpi slt, %add3A_314, %lt3A_315 : i32
    %convert_element_type3A_317 = arith.extui %lt3A_316 : i1 to i32
    %cond3A_318 = arith.constant 0 : i32
    %cond3A_319 = arith.cmpi ne, %convert_element_type3A_317, %cond3A_318 : i32
    scf.if %cond3A_319 {
      %dma_wait3A = arith.constant 0 : i32
      %dma_wait3A_572 = arith.constant 0 : i32
      %dma_wait3A_573 = tpu.memref_slice %arg4[%add3A_296, %dma_wait3A, %dma_wait3A_572] : memref<500x200x128xf32, #tpu.memory_space<hbm>> -> memref<1x200x128xf32, #tpu.memory_space<hbm>>
      %dma_wait3A_574 = tpu.memref_squeeze %dma_wait3A_573 : memref<1x200x128xf32, #tpu.memory_space<hbm>> -> memref<200x128xf32, #tpu.memory_space<hbm>>
      %dma_wait3A_575 = arith.constant 0 : i32
      %dma_wait3A_576 = arith.constant 0 : i32
      %dma_wait3A_577 = tpu.memref_slice %arg4[%add3A_296, %dma_wait3A_575, %dma_wait3A_576] : memref<500x200x128xf32, #tpu.memory_space<hbm>> -> memref<1x200x128xf32, #tpu.memory_space<hbm>>
      %dma_wait3A_578 = tpu.memref_squeeze %dma_wait3A_577 : memref<1x200x128xf32, #tpu.memory_space<hbm>> -> memref<200x128xf32, #tpu.memory_space<hbm>>
      tpu.wait_dma2 semaphore(%arg32 : memref<!tpu.dma_semaphore, #tpu.memory_space<semaphore_mem>>) src(%arg23 : memref<200x128xf32, #tpu.memory_space<vmem>>) dst(%dma_wait3A_578 : memref<200x128xf32, #tpu.memory_space<hbm>>)
      %dma_start3A = arith.constant 0 : i32
      %dma_start3A_579 = arith.constant 0 : i32
      %dma_start3A_580 = tpu.memref_slice %arg5[%dma_start3A, %dma_start3A_579] : memref<37x128xf32, #tpu.memory_space<vmem_shared>> -> memref<37x128xf32, #tpu.memory_space<vmem_shared>>
      tpu.enqueue_indirect_dma source(%dma_start3A_580 : memref<37x128xf32, #tpu.memory_space<vmem_shared>>) target(%arg23 : memref<200x128xf32, #tpu.memory_space<vmem>>) offsets(%arg11 : memref<200xi32, #tpu.memory_space<vmem>>) semaphore(%arg28 : memref<!tpu.dma_semaphore, #tpu.memory_space<semaphore_mem>>)
    } else {
    }
    %add3A_320 = arith.constant 64 : i32
    %add3A_321 = arith.addi %add3A, %add3A_320 : i32
    %lt3A_322 = arith.constant 500 : i32
    %lt3A_323 = arith.cmpi slt, %add3A_321, %lt3A_322 : i32
    %convert_element_type3A_324 = arith.extui %lt3A_323 : i1 to i32
    %cond3A_325 = arith.constant 0 : i32
    %cond3A_326 = arith.cmpi ne, %convert_element_type3A_324, %cond3A_325 : i32
    scf.if %cond3A_326 {
      %dma_wait3A = arith.constant 0 : i32
      %dma_wait3A_572 = arith.constant 0 : i32
      %dma_wait3A_573 = tpu.memref_slice %arg5[%dma_wait3A, %dma_wait3A_572] : memref<37x128xf32, #tpu.memory_space<vmem_shared>> -> memref<37x128xf32, #tpu.memory_space<vmem_shared>>
      tpu.wait_indirect_dma semaphore(%arg29 : memref<!tpu.dma_semaphore, #tpu.memory_space<semaphore_mem>>) src(%dma_wait3A_573 : memref<37x128xf32, #tpu.memory_space<vmem_shared>>) dst(%arg24 : memref<200x128xf32, #tpu.memory_space<vmem>>)
      %dma_start3A = arith.constant 0 : i32
      %dma_start3A_574 = arith.constant 0 : i32
      %dma_start3A_575 = tpu.memref_slice %arg4[%add3A_312, %dma_start3A, %dma_start3A_574] : memref<500x200x128xf32, #tpu.memory_space<hbm>> -> memref<1x200x128xf32, #tpu.memory_space<hbm>>
      %dma_start3A_576 = tpu.memref_squeeze %dma_start3A_575 : memref<1x200x128xf32, #tpu.memory_space<hbm>> -> memref<200x128xf32, #tpu.memory_space<hbm>>
      %dma_start3A_577 = arith.constant 0 : i32
      %dma_start3A_578 = arith.constant 0 : i32
      %dma_start3A_579 = tpu.memref_slice %arg4[%add3A_312, %dma_start3A_577, %dma_start3A_578] : memref<500x200x128xf32, #tpu.memory_space<hbm>> -> memref<1x200x128xf32, #tpu.memory_space<hbm>>
      %dma_start3A_580 = tpu.memref_squeeze %dma_start3A_579 : memref<1x200x128xf32, #tpu.memory_space<hbm>> -> memref<200x128xf32, #tpu.memory_space<hbm>>
      tpu.enqueue_dma source(%arg24 : memref<200x128xf32, #tpu.memory_space<vmem>>) target(%dma_start3A_580 : memref<200x128xf32, #tpu.memory_space<hbm>>) target_semaphore(%arg33 : memref<!tpu.dma_semaphore, #tpu.memory_space<semaphore_mem>>)
    } else {
    }
    %add3A_327 = arith.constant 96 : i32
    %add3A_328 = arith.addi %add3A, %add3A_327 : i32
    %add3A_329 = arith.constant 192 : i32
    %add3A_330 = arith.addi %add3A, %add3A_329 : i32
    %lt3A_331 = arith.constant 500 : i32
    %lt3A_332 = arith.cmpi slt, %add3A_330, %lt3A_331 : i32
    %convert_element_type3A_333 = arith.extui %lt3A_332 : i1 to i32
    %cond3A_334 = arith.constant 0 : i32
    %cond3A_335 = arith.cmpi ne, %convert_element_type3A_333, %cond3A_334 : i32
    scf.if %cond3A_335 {
      %dma_wait3A = arith.constant 0 : i32
      %dma_wait3A_572 = arith.constant 0 : i32
      %dma_wait3A_573 = tpu.memref_slice %arg4[%add3A_312, %dma_wait3A, %dma_wait3A_572] : memref<500x200x128xf32, #tpu.memory_space<hbm>> -> memref<1x200x128xf32, #tpu.memory_space<hbm>>
      %dma_wait3A_574 = tpu.memref_squeeze %dma_wait3A_573 : memref<1x200x128xf32, #tpu.memory_space<hbm>> -> memref<200x128xf32, #tpu.memory_space<hbm>>
      %dma_wait3A_575 = arith.constant 0 : i32
      %dma_wait3A_576 = arith.constant 0 : i32
      %dma_wait3A_577 = tpu.memref_slice %arg4[%add3A_312, %dma_wait3A_575, %dma_wait3A_576] : memref<500x200x128xf32, #tpu.memory_space<hbm>> -> memref<1x200x128xf32, #tpu.memory_space<hbm>>
      %dma_wait3A_578 = tpu.memref_squeeze %dma_wait3A_577 : memref<1x200x128xf32, #tpu.memory_space<hbm>> -> memref<200x128xf32, #tpu.memory_space<hbm>>
      tpu.wait_dma2 semaphore(%arg33 : memref<!tpu.dma_semaphore, #tpu.memory_space<semaphore_mem>>) src(%arg24 : memref<200x128xf32, #tpu.memory_space<vmem>>) dst(%dma_wait3A_578 : memref<200x128xf32, #tpu.memory_space<hbm>>)
      %dma_start3A = arith.constant 0 : i32
      %dma_start3A_579 = arith.constant 0 : i32
      %dma_start3A_580 = tpu.memref_slice %arg5[%dma_start3A, %dma_start3A_579] : memref<37x128xf32, #tpu.memory_space<vmem_shared>> -> memref<37x128xf32, #tpu.memory_space<vmem_shared>>
      tpu.enqueue_indirect_dma source(%dma_start3A_580 : memref<37x128xf32, #tpu.memory_space<vmem_shared>>) target(%arg24 : memref<200x128xf32, #tpu.memory_space<vmem>>) offsets(%arg12 : memref<200xi32, #tpu.memory_space<vmem>>) semaphore(%arg29 : memref<!tpu.dma_semaphore, #tpu.memory_space<semaphore_mem>>)
    } else {
    }
    %add3A_336 = arith.constant 96 : i32
    %add3A_337 = arith.addi %add3A, %add3A_336 : i32
    %lt3A_338 = arith.constant 500 : i32
    %lt3A_339 = arith.cmpi slt, %add3A_337, %lt3A_338 : i32
    %convert_element_type3A_340 = arith.extui %lt3A_339 : i1 to i32
    %cond3A_341 = arith.constant 0 : i32
    %cond3A_342 = arith.cmpi ne, %convert_element_type3A_340, %cond3A_341 : i32
    scf.if %cond3A_342 {
      %dma_wait3A = arith.constant 0 : i32
      %dma_wait3A_572 = arith.constant 0 : i32
      %dma_wait3A_573 = tpu.memref_slice %arg5[%dma_wait3A, %dma_wait3A_572] : memref<37x128xf32, #tpu.memory_space<vmem_shared>> -> memref<37x128xf32, #tpu.memory_space<vmem_shared>>
      tpu.wait_indirect_dma semaphore(%arg30 : memref<!tpu.dma_semaphore, #tpu.memory_space<semaphore_mem>>) src(%dma_wait3A_573 : memref<37x128xf32, #tpu.memory_space<vmem_shared>>) dst(%arg25 : memref<200x128xf32, #tpu.memory_space<vmem>>)
      %dma_start3A = arith.constant 0 : i32
      %dma_start3A_574 = arith.constant 0 : i32
      %dma_start3A_575 = tpu.memref_slice %arg4[%add3A_328, %dma_start3A, %dma_start3A_574] : memref<500x200x128xf32, #tpu.memory_space<hbm>> -> memref<1x200x128xf32, #tpu.memory_space<hbm>>
      %dma_start3A_576 = tpu.memref_squeeze %dma_start3A_575 : memref<1x200x128xf32, #tpu.memory_space<hbm>> -> memref<200x128xf32, #tpu.memory_space<hbm>>
      %dma_start3A_577 = arith.constant 0 : i32
      %dma_start3A_578 = arith.constant 0 : i32
      %dma_start3A_579 = tpu.memref_slice %arg4[%add3A_328, %dma_start3A_577, %dma_start3A_578] : memref<500x200x128xf32, #tpu.memory_space<hbm>> -> memref<1x200x128xf32, #tpu.memory_space<hbm>>
      %dma_start3A_580 = tpu.memref_squeeze %dma_start3A_579 : memref<1x200x128xf32, #tpu.memory_space<hbm>> -> memref<200x128xf32, #tpu.memory_space<hbm>>
      tpu.enqueue_dma source(%arg25 : memref<200x128xf32, #tpu.memory_space<vmem>>) target(%dma_start3A_580 : memref<200x128xf32, #tpu.memory_space<hbm>>) target_semaphore(%arg34 : memref<!tpu.dma_semaphore, #tpu.memory_space<semaphore_mem>>)
    } else {
    }
    %add3A_343 = arith.constant 128 : i32
    %add3A_344 = arith.addi %add3A, %add3A_343 : i32
    %add3A_345 = arith.constant 224 : i32
    %add3A_346 = arith.addi %add3A, %add3A_345 : i32
    %lt3A_347 = arith.constant 500 : i32
    %lt3A_348 = arith.cmpi slt, %add3A_346, %lt3A_347 : i32
    %convert_element_type3A_349 = arith.extui %lt3A_348 : i1 to i32
    %cond3A_350 = arith.constant 0 : i32
    %cond3A_351 = arith.cmpi ne, %convert_element_type3A_349, %cond3A_350 : i32
    scf.if %cond3A_351 {
      %dma_wait3A = arith.constant 0 : i32
      %dma_wait3A_572 = arith.constant 0 : i32
      %dma_wait3A_573 = tpu.memref_slice %arg4[%add3A_328, %dma_wait3A, %dma_wait3A_572] : memref<500x200x128xf32, #tpu.memory_space<hbm>> -> memref<1x200x128xf32, #tpu.memory_space<hbm>>
      %dma_wait3A_574 = tpu.memref_squeeze %dma_wait3A_573 : memref<1x200x128xf32, #tpu.memory_space<hbm>> -> memref<200x128xf32, #tpu.memory_space<hbm>>
      %dma_wait3A_575 = arith.constant 0 : i32
      %dma_wait3A_576 = arith.constant 0 : i32
      %dma_wait3A_577 = tpu.memref_slice %arg4[%add3A_328, %dma_wait3A_575, %dma_wait3A_576] : memref<500x200x128xf32, #tpu.memory_space<hbm>> -> memref<1x200x128xf32, #tpu.memory_space<hbm>>
      %dma_wait3A_578 = tpu.memref_squeeze %dma_wait3A_577 : memref<1x200x128xf32, #tpu.memory_space<hbm>> -> memref<200x128xf32, #tpu.memory_space<hbm>>
      tpu.wait_dma2 semaphore(%arg34 : memref<!tpu.dma_semaphore, #tpu.memory_space<semaphore_mem>>) src(%arg25 : memref<200x128xf32, #tpu.memory_space<vmem>>) dst(%dma_wait3A_578 : memref<200x128xf32, #tpu.memory_space<hbm>>)
      %dma_start3A = arith.constant 0 : i32
      %dma_start3A_579 = arith.constant 0 : i32
      %dma_start3A_580 = tpu.memref_slice %arg5[%dma_start3A, %dma_start3A_579] : memref<37x128xf32, #tpu.memory_space<vmem_shared>> -> memref<37x128xf32, #tpu.memory_space<vmem_shared>>
      tpu.enqueue_indirect_dma source(%dma_start3A_580 : memref<37x128xf32, #tpu.memory_space<vmem_shared>>) target(%arg25 : memref<200x128xf32, #tpu.memory_space<vmem>>) offsets(%arg13 : memref<200xi32, #tpu.memory_space<vmem>>) semaphore(%arg30 : memref<!tpu.dma_semaphore, #tpu.memory_space<semaphore_mem>>)
    } else {
    }
    %add3A_352 = arith.constant 128 : i32
    %add3A_353 = arith.addi %add3A, %add3A_352 : i32
    %lt3A_354 = arith.constant 500 : i32
    %lt3A_355 = arith.cmpi slt, %add3A_353, %lt3A_354 : i32
    %convert_element_type3A_356 = arith.extui %lt3A_355 : i1 to i32
    %cond3A_357 = arith.constant 0 : i32
    %cond3A_358 = arith.cmpi ne, %convert_element_type3A_356, %cond3A_357 : i32
    scf.if %cond3A_358 {
      %dma_wait3A = arith.constant 0 : i32
      %dma_wait3A_572 = arith.constant 0 : i32
      %dma_wait3A_573 = tpu.memref_slice %arg5[%dma_wait3A, %dma_wait3A_572] : memref<37x128xf32, #tpu.memory_space<vmem_shared>> -> memref<37x128xf32, #tpu.memory_space<vmem_shared>>
      tpu.wait_indirect_dma semaphore(%arg27 : memref<!tpu.dma_semaphore, #tpu.memory_space<semaphore_mem>>) src(%dma_wait3A_573 : memref<37x128xf32, #tpu.memory_space<vmem_shared>>) dst(%arg22 : memref<200x128xf32, #tpu.memory_space<vmem>>)
      %dma_start3A = arith.constant 0 : i32
      %dma_start3A_574 = arith.constant 0 : i32
      %dma_start3A_575 = tpu.memref_slice %arg4[%add3A_344, %dma_start3A, %dma_start3A_574] : memref<500x200x128xf32, #tpu.memory_space<hbm>> -> memref<1x200x128xf32, #tpu.memory_space<hbm>>
      %dma_start3A_576 = tpu.memref_squeeze %dma_start3A_575 : memref<1x200x128xf32, #tpu.memory_space<hbm>> -> memref<200x128xf32, #tpu.memory_space<hbm>>
      %dma_start3A_577 = arith.constant 0 : i32
      %dma_start3A_578 = arith.constant 0 : i32
      %dma_start3A_579 = tpu.memref_slice %arg4[%add3A_344, %dma_start3A_577, %dma_start3A_578] : memref<500x200x128xf32, #tpu.memory_space<hbm>> -> memref<1x200x128xf32, #tpu.memory_space<hbm>>
      %dma_start3A_580 = tpu.memref_squeeze %dma_start3A_579 : memref<1x200x128xf32, #tpu.memory_space<hbm>> -> memref<200x128xf32, #tpu.memory_space<hbm>>
      tpu.enqueue_dma source(%arg22 : memref<200x128xf32, #tpu.memory_space<vmem>>) target(%dma_start3A_580 : memref<200x128xf32, #tpu.memory_space<hbm>>) target_semaphore(%arg31 : memref<!tpu.dma_semaphore, #tpu.memory_space<semaphore_mem>>)
    } else {
    }
    %add3A_359 = arith.constant 160 : i32
    %add3A_360 = arith.addi %add3A, %add3A_359 : i32
    %add3A_361 = arith.constant 256 : i32
    %add3A_362 = arith.addi %add3A, %add3A_361 : i32
    %lt3A_363 = arith.constant 500 : i32
    %lt3A_364 = arith.cmpi slt, %add3A_362, %lt3A_363 : i32
    %convert_element_type3A_365 = arith.extui %lt3A_364 : i1 to i32
    %cond3A_366 = arith.constant 0 : i32
    %cond3A_367 = arith.cmpi ne, %convert_element_type3A_365, %cond3A_366 : i32
    scf.if %cond3A_367 {
      %dma_wait3A = arith.constant 0 : i32
      %dma_wait3A_572 = arith.constant 0 : i32
      %dma_wait3A_573 = tpu.memref_slice %arg4[%add3A_344, %dma_wait3A, %dma_wait3A_572] : memref<500x200x128xf32, #tpu.memory_space<hbm>> -> memref<1x200x128xf32, #tpu.memory_space<hbm>>
      %dma_wait3A_574 = tpu.memref_squeeze %dma_wait3A_573 : memref<1x200x128xf32, #tpu.memory_space<hbm>> -> memref<200x128xf32, #tpu.memory_space<hbm>>
      %dma_wait3A_575 = arith.constant 0 : i32
      %dma_wait3A_576 = arith.constant 0 : i32
      %dma_wait3A_577 = tpu.memref_slice %arg4[%add3A_344, %dma_wait3A_575, %dma_wait3A_576] : memref<500x200x128xf32, #tpu.memory_space<hbm>> -> memref<1x200x128xf32, #tpu.memory_space<hbm>>
      %dma_wait3A_578 = tpu.memref_squeeze %dma_wait3A_577 : memref<1x200x128xf32, #tpu.memory_space<hbm>> -> memref<200x128xf32, #tpu.memory_space<hbm>>
      tpu.wait_dma2 semaphore(%arg31 : memref<!tpu.dma_semaphore, #tpu.memory_space<semaphore_mem>>) src(%arg22 : memref<200x128xf32, #tpu.memory_space<vmem>>) dst(%dma_wait3A_578 : memref<200x128xf32, #tpu.memory_space<hbm>>)
      %dma_start3A = arith.constant 0 : i32
      %dma_start3A_579 = arith.constant 0 : i32
      %dma_start3A_580 = tpu.memref_slice %arg5[%dma_start3A, %dma_start3A_579] : memref<37x128xf32, #tpu.memory_space<vmem_shared>> -> memref<37x128xf32, #tpu.memory_space<vmem_shared>>
      tpu.enqueue_indirect_dma source(%dma_start3A_580 : memref<37x128xf32, #tpu.memory_space<vmem_shared>>) target(%arg22 : memref<200x128xf32, #tpu.memory_space<vmem>>) offsets(%arg14 : memref<200xi32, #tpu.memory_space<vmem>>) semaphore(%arg27 : memref<!tpu.dma_semaphore, #tpu.memory_space<semaphore_mem>>)
    } else {
    }
    %add3A_368 = arith.constant 160 : i32
    %add3A_369 = arith.addi %add3A, %add3A_368 : i32
    %lt3A_370 = arith.constant 500 : i32
    %lt3A_371 = arith.cmpi slt, %add3A_369, %lt3A_370 : i32
    %convert_element_type3A_372 = arith.extui %lt3A_371 : i1 to i32
    %cond3A_373 = arith.constant 0 : i32
    %cond3A_374 = arith.cmpi ne, %convert_element_type3A_372, %cond3A_373 : i32
    scf.if %cond3A_374 {
      %dma_wait3A = arith.constant 0 : i32
      %dma_wait3A_572 = arith.constant 0 : i32
      %dma_wait3A_573 = tpu.memref_slice %arg5[%dma_wait3A, %dma_wait3A_572] : memref<37x128xf32, #tpu.memory_space<vmem_shared>> -> memref<37x128xf32, #tpu.memory_space<vmem_shared>>
      tpu.wait_indirect_dma semaphore(%arg28 : memref<!tpu.dma_semaphore, #tpu.memory_space<semaphore_mem>>) src(%dma_wait3A_573 : memref<37x128xf32, #tpu.memory_space<vmem_shared>>) dst(%arg23 : memref<200x128xf32, #tpu.memory_space<vmem>>)
      %dma_start3A = arith.constant 0 : i32
      %dma_start3A_574 = arith.constant 0 : i32
      %dma_start3A_575 = tpu.memref_slice %arg4[%add3A_360, %dma_start3A, %dma_start3A_574] : memref<500x200x128xf32, #tpu.memory_space<hbm>> -> memref<1x200x128xf32, #tpu.memory_space<hbm>>
      %dma_start3A_576 = tpu.memref_squeeze %dma_start3A_575 : memref<1x200x128xf32, #tpu.memory_space<hbm>> -> memref<200x128xf32, #tpu.memory_space<hbm>>
      %dma_start3A_577 = arith.constant 0 : i32
      %dma_start3A_578 = arith.constant 0 : i32
      %dma_start3A_579 = tpu.memref_slice %arg4[%add3A_360, %dma_start3A_577, %dma_start3A_578] : memref<500x200x128xf32, #tpu.memory_space<hbm>> -> memref<1x200x128xf32, #tpu.memory_space<hbm>>
      %dma_start3A_580 = tpu.memref_squeeze %dma_start3A_579 : memref<1x200x128xf32, #tpu.memory_space<hbm>> -> memref<200x128xf32, #tpu.memory_space<hbm>>
      tpu.enqueue_dma source(%arg23 : memref<200x128xf32, #tpu.memory_space<vmem>>) target(%dma_start3A_580 : memref<200x128xf32, #tpu.memory_space<hbm>>) target_semaphore(%arg32 : memref<!tpu.dma_semaphore, #tpu.memory_space<semaphore_mem>>)
    } else {
    }
    %add3A_375 = arith.constant 192 : i32
    %add3A_376 = arith.addi %add3A, %add3A_375 : i32
    %add3A_377 = arith.constant 288 : i32
    %add3A_378 = arith.addi %add3A, %add3A_377 : i32
    %lt3A_379 = arith.constant 500 : i32
    %lt3A_380 = arith.cmpi slt, %add3A_378, %lt3A_379 : i32
    %convert_element_type3A_381 = arith.extui %lt3A_380 : i1 to i32
    %cond3A_382 = arith.constant 0 : i32
    %cond3A_383 = arith.cmpi ne, %convert_element_type3A_381, %cond3A_382 : i32
    scf.if %cond3A_383 {
      %dma_wait3A = arith.constant 0 : i32
      %dma_wait3A_572 = arith.constant 0 : i32
      %dma_wait3A_573 = tpu.memref_slice %arg4[%add3A_360, %dma_wait3A, %dma_wait3A_572] : memref<500x200x128xf32, #tpu.memory_space<hbm>> -> memref<1x200x128xf32, #tpu.memory_space<hbm>>
      %dma_wait3A_574 = tpu.memref_squeeze %dma_wait3A_573 : memref<1x200x128xf32, #tpu.memory_space<hbm>> -> memref<200x128xf32, #tpu.memory_space<hbm>>
      %dma_wait3A_575 = arith.constant 0 : i32
      %dma_wait3A_576 = arith.constant 0 : i32
      %dma_wait3A_577 = tpu.memref_slice %arg4[%add3A_360, %dma_wait3A_575, %dma_wait3A_576] : memref<500x200x128xf32, #tpu.memory_space<hbm>> -> memref<1x200x128xf32, #tpu.memory_space<hbm>>
      %dma_wait3A_578 = tpu.memref_squeeze %dma_wait3A_577 : memref<1x200x128xf32, #tpu.memory_space<hbm>> -> memref<200x128xf32, #tpu.memory_space<hbm>>
      tpu.wait_dma2 semaphore(%arg32 : memref<!tpu.dma_semaphore, #tpu.memory_space<semaphore_mem>>) src(%arg23 : memref<200x128xf32, #tpu.memory_space<vmem>>) dst(%dma_wait3A_578 : memref<200x128xf32, #tpu.memory_space<hbm>>)
      %dma_start3A = arith.constant 0 : i32
      %dma_start3A_579 = arith.constant 0 : i32
      %dma_start3A_580 = tpu.memref_slice %arg5[%dma_start3A, %dma_start3A_579] : memref<37x128xf32, #tpu.memory_space<vmem_shared>> -> memref<37x128xf32, #tpu.memory_space<vmem_shared>>
      tpu.enqueue_indirect_dma source(%dma_start3A_580 : memref<37x128xf32, #tpu.memory_space<vmem_shared>>) target(%arg23 : memref<200x128xf32, #tpu.memory_space<vmem>>) offsets(%arg15 : memref<200xi32, #tpu.memory_space<vmem>>) semaphore(%arg28 : memref<!tpu.dma_semaphore, #tpu.memory_space<semaphore_mem>>)
    } else {
    }
    %add3A_384 = arith.constant 192 : i32
    %add3A_385 = arith.addi %add3A, %add3A_384 : i32
    %lt3A_386 = arith.constant 500 : i32
    %lt3A_387 = arith.cmpi slt, %add3A_385, %lt3A_386 : i32
    %convert_element_type3A_388 = arith.extui %lt3A_387 : i1 to i32
    %cond3A_389 = arith.constant 0 : i32
    %cond3A_390 = arith.cmpi ne, %convert_element_type3A_388, %cond3A_389 : i32
    scf.if %cond3A_390 {
      %dma_wait3A = arith.constant 0 : i32
      %dma_wait3A_572 = arith.constant 0 : i32
      %dma_wait3A_573 = tpu.memref_slice %arg5[%dma_wait3A, %dma_wait3A_572] : memref<37x128xf32, #tpu.memory_space<vmem_shared>> -> memref<37x128xf32, #tpu.memory_space<vmem_shared>>
      tpu.wait_indirect_dma semaphore(%arg29 : memref<!tpu.dma_semaphore, #tpu.memory_space<semaphore_mem>>) src(%dma_wait3A_573 : memref<37x128xf32, #tpu.memory_space<vmem_shared>>) dst(%arg24 : memref<200x128xf32, #tpu.memory_space<vmem>>)
      %dma_start3A = arith.constant 0 : i32
      %dma_start3A_574 = arith.constant 0 : i32
      %dma_start3A_575 = tpu.memref_slice %arg4[%add3A_376, %dma_start3A, %dma_start3A_574] : memref<500x200x128xf32, #tpu.memory_space<hbm>> -> memref<1x200x128xf32, #tpu.memory_space<hbm>>
      %dma_start3A_576 = tpu.memref_squeeze %dma_start3A_575 : memref<1x200x128xf32, #tpu.memory_space<hbm>> -> memref<200x128xf32, #tpu.memory_space<hbm>>
      %dma_start3A_577 = arith.constant 0 : i32
      %dma_start3A_578 = arith.constant 0 : i32
      %dma_start3A_579 = tpu.memref_slice %arg4[%add3A_376, %dma_start3A_577, %dma_start3A_578] : memref<500x200x128xf32, #tpu.memory_space<hbm>> -> memref<1x200x128xf32, #tpu.memory_space<hbm>>
      %dma_start3A_580 = tpu.memref_squeeze %dma_start3A_579 : memref<1x200x128xf32, #tpu.memory_space<hbm>> -> memref<200x128xf32, #tpu.memory_space<hbm>>
      tpu.enqueue_dma source(%arg24 : memref<200x128xf32, #tpu.memory_space<vmem>>) target(%dma_start3A_580 : memref<200x128xf32, #tpu.memory_space<hbm>>) target_semaphore(%arg33 : memref<!tpu.dma_semaphore, #tpu.memory_space<semaphore_mem>>)
    } else {
    }
    %add3A_391 = arith.constant 224 : i32
    %add3A_392 = arith.addi %add3A, %add3A_391 : i32
    %add3A_393 = arith.constant 320 : i32
    %add3A_394 = arith.addi %add3A, %add3A_393 : i32
    %lt3A_395 = arith.constant 500 : i32
    %lt3A_396 = arith.cmpi slt, %add3A_394, %lt3A_395 : i32
    %convert_element_type3A_397 = arith.extui %lt3A_396 : i1 to i32
    %cond3A_398 = arith.constant 0 : i32
    %cond3A_399 = arith.cmpi ne, %convert_element_type3A_397, %cond3A_398 : i32
    scf.if %cond3A_399 {
      %dma_wait3A = arith.constant 0 : i32
      %dma_wait3A_572 = arith.constant 0 : i32
      %dma_wait3A_573 = tpu.memref_slice %arg4[%add3A_376, %dma_wait3A, %dma_wait3A_572] : memref<500x200x128xf32, #tpu.memory_space<hbm>> -> memref<1x200x128xf32, #tpu.memory_space<hbm>>
      %dma_wait3A_574 = tpu.memref_squeeze %dma_wait3A_573 : memref<1x200x128xf32, #tpu.memory_space<hbm>> -> memref<200x128xf32, #tpu.memory_space<hbm>>
      %dma_wait3A_575 = arith.constant 0 : i32
      %dma_wait3A_576 = arith.constant 0 : i32
      %dma_wait3A_577 = tpu.memref_slice %arg4[%add3A_376, %dma_wait3A_575, %dma_wait3A_576] : memref<500x200x128xf32, #tpu.memory_space<hbm>> -> memref<1x200x128xf32, #tpu.memory_space<hbm>>
      %dma_wait3A_578 = tpu.memref_squeeze %dma_wait3A_577 : memref<1x200x128xf32, #tpu.memory_space<hbm>> -> memref<200x128xf32, #tpu.memory_space<hbm>>
      tpu.wait_dma2 semaphore(%arg33 : memref<!tpu.dma_semaphore, #tpu.memory_space<semaphore_mem>>) src(%arg24 : memref<200x128xf32, #tpu.memory_space<vmem>>) dst(%dma_wait3A_578 : memref<200x128xf32, #tpu.memory_space<hbm>>)
      %dma_start3A = arith.constant 0 : i32
      %dma_start3A_579 = arith.constant 0 : i32
      %dma_start3A_580 = tpu.memref_slice %arg5[%dma_start3A, %dma_start3A_579] : memref<37x128xf32, #tpu.memory_space<vmem_shared>> -> memref<37x128xf32, #tpu.memory_space<vmem_shared>>
      tpu.enqueue_indirect_dma source(%dma_start3A_580 : memref<37x128xf32, #tpu.memory_space<vmem_shared>>) target(%arg24 : memref<200x128xf32, #tpu.memory_space<vmem>>) offsets(%arg16 : memref<200xi32, #tpu.memory_space<vmem>>) semaphore(%arg29 : memref<!tpu.dma_semaphore, #tpu.memory_space<semaphore_mem>>)
    } else {
    }
    %add3A_400 = arith.constant 224 : i32
    %add3A_401 = arith.addi %add3A, %add3A_400 : i32
    %lt3A_402 = arith.constant 500 : i32
    %lt3A_403 = arith.cmpi slt, %add3A_401, %lt3A_402 : i32
    %convert_element_type3A_404 = arith.extui %lt3A_403 : i1 to i32
    %cond3A_405 = arith.constant 0 : i32
    %cond3A_406 = arith.cmpi ne, %convert_element_type3A_404, %cond3A_405 : i32
    scf.if %cond3A_406 {
      %dma_wait3A = arith.constant 0 : i32
      %dma_wait3A_572 = arith.constant 0 : i32
      %dma_wait3A_573 = tpu.memref_slice %arg5[%dma_wait3A, %dma_wait3A_572] : memref<37x128xf32, #tpu.memory_space<vmem_shared>> -> memref<37x128xf32, #tpu.memory_space<vmem_shared>>
      tpu.wait_indirect_dma semaphore(%arg30 : memref<!tpu.dma_semaphore, #tpu.memory_space<semaphore_mem>>) src(%dma_wait3A_573 : memref<37x128xf32, #tpu.memory_space<vmem_shared>>) dst(%arg25 : memref<200x128xf32, #tpu.memory_space<vmem>>)
      %dma_start3A = arith.constant 0 : i32
      %dma_start3A_574 = arith.constant 0 : i32
      %dma_start3A_575 = tpu.memref_slice %arg4[%add3A_392, %dma_start3A, %dma_start3A_574] : memref<500x200x128xf32, #tpu.memory_space<hbm>> -> memref<1x200x128xf32, #tpu.memory_space<hbm>>
      %dma_start3A_576 = tpu.memref_squeeze %dma_start3A_575 : memref<1x200x128xf32, #tpu.memory_space<hbm>> -> memref<200x128xf32, #tpu.memory_space<hbm>>
      %dma_start3A_577 = arith.constant 0 : i32
      %dma_start3A_578 = arith.constant 0 : i32
      %dma_start3A_579 = tpu.memref_slice %arg4[%add3A_392, %dma_start3A_577, %dma_start3A_578] : memref<500x200x128xf32, #tpu.memory_space<hbm>> -> memref<1x200x128xf32, #tpu.memory_space<hbm>>
      %dma_start3A_580 = tpu.memref_squeeze %dma_start3A_579 : memref<1x200x128xf32, #tpu.memory_space<hbm>> -> memref<200x128xf32, #tpu.memory_space<hbm>>
      tpu.enqueue_dma source(%arg25 : memref<200x128xf32, #tpu.memory_space<vmem>>) target(%dma_start3A_580 : memref<200x128xf32, #tpu.memory_space<hbm>>) target_semaphore(%arg34 : memref<!tpu.dma_semaphore, #tpu.memory_space<semaphore_mem>>)
    } else {
    }
    %add3A_407 = arith.constant 256 : i32
    %add3A_408 = arith.addi %add3A, %add3A_407 : i32
    %add3A_409 = arith.constant 352 : i32
    %add3A_410 = arith.addi %add3A, %add3A_409 : i32
    %lt3A_411 = arith.constant 500 : i32
    %lt3A_412 = arith.cmpi slt, %add3A_410, %lt3A_411 : i32
    %convert_element_type3A_413 = arith.extui %lt3A_412 : i1 to i32
    %cond3A_414 = arith.constant 0 : i32
    %cond3A_415 = arith.cmpi ne, %convert_element_type3A_413, %cond3A_414 : i32
    scf.if %cond3A_415 {
      %dma_wait3A = arith.constant 0 : i32
      %dma_wait3A_572 = arith.constant 0 : i32
      %dma_wait3A_573 = tpu.memref_slice %arg4[%add3A_392, %dma_wait3A, %dma_wait3A_572] : memref<500x200x128xf32, #tpu.memory_space<hbm>> -> memref<1x200x128xf32, #tpu.memory_space<hbm>>
      %dma_wait3A_574 = tpu.memref_squeeze %dma_wait3A_573 : memref<1x200x128xf32, #tpu.memory_space<hbm>> -> memref<200x128xf32, #tpu.memory_space<hbm>>
      %dma_wait3A_575 = arith.constant 0 : i32
      %dma_wait3A_576 = arith.constant 0 : i32
      %dma_wait3A_577 = tpu.memref_slice %arg4[%add3A_392, %dma_wait3A_575, %dma_wait3A_576] : memref<500x200x128xf32, #tpu.memory_space<hbm>> -> memref<1x200x128xf32, #tpu.memory_space<hbm>>
      %dma_wait3A_578 = tpu.memref_squeeze %dma_wait3A_577 : memref<1x200x128xf32, #tpu.memory_space<hbm>> -> memref<200x128xf32, #tpu.memory_space<hbm>>
      tpu.wait_dma2 semaphore(%arg34 : memref<!tpu.dma_semaphore, #tpu.memory_space<semaphore_mem>>) src(%arg25 : memref<200x128xf32, #tpu.memory_space<vmem>>) dst(%dma_wait3A_578 : memref<200x128xf32, #tpu.memory_space<hbm>>)
      %dma_start3A = arith.constant 0 : i32
      %dma_start3A_579 = arith.constant 0 : i32
      %dma_start3A_580 = tpu.memref_slice %arg5[%dma_start3A, %dma_start3A_579] : memref<37x128xf32, #tpu.memory_space<vmem_shared>> -> memref<37x128xf32, #tpu.memory_space<vmem_shared>>
      tpu.enqueue_indirect_dma source(%dma_start3A_580 : memref<37x128xf32, #tpu.memory_space<vmem_shared>>) target(%arg25 : memref<200x128xf32, #tpu.memory_space<vmem>>) offsets(%arg17 : memref<200xi32, #tpu.memory_space<vmem>>) semaphore(%arg30 : memref<!tpu.dma_semaphore, #tpu.memory_space<semaphore_mem>>)
    } else {
    }
    %add3A_416 = arith.constant 256 : i32
    %add3A_417 = arith.addi %add3A, %add3A_416 : i32
    %lt3A_418 = arith.constant 500 : i32
    %lt3A_419 = arith.cmpi slt, %add3A_417, %lt3A_418 : i32
    %convert_element_type3A_420 = arith.extui %lt3A_419 : i1 to i32
    %cond3A_421 = arith.constant 0 : i32
    %cond3A_422 = arith.cmpi ne, %convert_element_type3A_420, %cond3A_421 : i32
    scf.if %cond3A_422 {
      %dma_wait3A = arith.constant 0 : i32
      %dma_wait3A_572 = arith.constant 0 : i32
      %dma_wait3A_573 = tpu.memref_slice %arg5[%dma_wait3A, %dma_wait3A_572] : memref<37x128xf32, #tpu.memory_space<vmem_shared>> -> memref<37x128xf32, #tpu.memory_space<vmem_shared>>
      tpu.wait_indirect_dma semaphore(%arg27 : memref<!tpu.dma_semaphore, #tpu.memory_space<semaphore_mem>>) src(%dma_wait3A_573 : memref<37x128xf32, #tpu.memory_space<vmem_shared>>) dst(%arg22 : memref<200x128xf32, #tpu.memory_space<vmem>>)
      %dma_start3A = arith.constant 0 : i32
      %dma_start3A_574 = arith.constant 0 : i32
      %dma_start3A_575 = tpu.memref_slice %arg4[%add3A_408, %dma_start3A, %dma_start3A_574] : memref<500x200x128xf32, #tpu.memory_space<hbm>> -> memref<1x200x128xf32, #tpu.memory_space<hbm>>
      %dma_start3A_576 = tpu.memref_squeeze %dma_start3A_575 : memref<1x200x128xf32, #tpu.memory_space<hbm>> -> memref<200x128xf32, #tpu.memory_space<hbm>>
      %dma_start3A_577 = arith.constant 0 : i32
      %dma_start3A_578 = arith.constant 0 : i32
      %dma_start3A_579 = tpu.memref_slice %arg4[%add3A_408, %dma_start3A_577, %dma_start3A_578] : memref<500x200x128xf32, #tpu.memory_space<hbm>> -> memref<1x200x128xf32, #tpu.memory_space<hbm>>
      %dma_start3A_580 = tpu.memref_squeeze %dma_start3A_579 : memref<1x200x128xf32, #tpu.memory_space<hbm>> -> memref<200x128xf32, #tpu.memory_space<hbm>>
      tpu.enqueue_dma source(%arg22 : memref<200x128xf32, #tpu.memory_space<vmem>>) target(%dma_start3A_580 : memref<200x128xf32, #tpu.memory_space<hbm>>) target_semaphore(%arg31 : memref<!tpu.dma_semaphore, #tpu.memory_space<semaphore_mem>>)
    } else {
    }
    %add3A_423 = arith.constant 288 : i32
    %add3A_424 = arith.addi %add3A, %add3A_423 : i32
    %add3A_425 = arith.constant 384 : i32
    %add3A_426 = arith.addi %add3A, %add3A_425 : i32
    %lt3A_427 = arith.constant 500 : i32
    %lt3A_428 = arith.cmpi slt, %add3A_426, %lt3A_427 : i32
    %convert_element_type3A_429 = arith.extui %lt3A_428 : i1 to i32
    %cond3A_430 = arith.constant 0 : i32
    %cond3A_431 = arith.cmpi ne, %convert_element_type3A_429, %cond3A_430 : i32
    scf.if %cond3A_431 {
      %dma_wait3A = arith.constant 0 : i32
      %dma_wait3A_572 = arith.constant 0 : i32
      %dma_wait3A_573 = tpu.memref_slice %arg4[%add3A_408, %dma_wait3A, %dma_wait3A_572] : memref<500x200x128xf32, #tpu.memory_space<hbm>> -> memref<1x200x128xf32, #tpu.memory_space<hbm>>
      %dma_wait3A_574 = tpu.memref_squeeze %dma_wait3A_573 : memref<1x200x128xf32, #tpu.memory_space<hbm>> -> memref<200x128xf32, #tpu.memory_space<hbm>>
      %dma_wait3A_575 = arith.constant 0 : i32
      %dma_wait3A_576 = arith.constant 0 : i32
      %dma_wait3A_577 = tpu.memref_slice %arg4[%add3A_408, %dma_wait3A_575, %dma_wait3A_576] : memref<500x200x128xf32, #tpu.memory_space<hbm>> -> memref<1x200x128xf32, #tpu.memory_space<hbm>>
      %dma_wait3A_578 = tpu.memref_squeeze %dma_wait3A_577 : memref<1x200x128xf32, #tpu.memory_space<hbm>> -> memref<200x128xf32, #tpu.memory_space<hbm>>
      tpu.wait_dma2 semaphore(%arg31 : memref<!tpu.dma_semaphore, #tpu.memory_space<semaphore_mem>>) src(%arg22 : memref<200x128xf32, #tpu.memory_space<vmem>>) dst(%dma_wait3A_578 : memref<200x128xf32, #tpu.memory_space<hbm>>)
      %dma_start3A = arith.constant 0 : i32
      %dma_start3A_579 = arith.constant 0 : i32
      %dma_start3A_580 = tpu.memref_slice %arg5[%dma_start3A, %dma_start3A_579] : memref<37x128xf32, #tpu.memory_space<vmem_shared>> -> memref<37x128xf32, #tpu.memory_space<vmem_shared>>
      tpu.enqueue_indirect_dma source(%dma_start3A_580 : memref<37x128xf32, #tpu.memory_space<vmem_shared>>) target(%arg22 : memref<200x128xf32, #tpu.memory_space<vmem>>) offsets(%arg18 : memref<200xi32, #tpu.memory_space<vmem>>) semaphore(%arg27 : memref<!tpu.dma_semaphore, #tpu.memory_space<semaphore_mem>>)
    } else {
    }
    %add3A_432 = arith.constant 288 : i32
    %add3A_433 = arith.addi %add3A, %add3A_432 : i32
    %lt3A_434 = arith.constant 500 : i32
    %lt3A_435 = arith.cmpi slt, %add3A_433, %lt3A_434 : i32
    %convert_element_type3A_436 = arith.extui %lt3A_435 : i1 to i32
    %cond3A_437 = arith.constant 0 : i32
    %cond3A_438 = arith.cmpi ne, %convert_element_type3A_436, %cond3A_437 : i32
    scf.if %cond3A_438 {
      %dma_wait3A = arith.constant 0 : i32
      %dma_wait3A_572 = arith.constant 0 : i32
      %dma_wait3A_573 = tpu.memref_slice %arg5[%dma_wait3A, %dma_wait3A_572] : memref<37x128xf32, #tpu.memory_space<vmem_shared>> -> memref<37x128xf32, #tpu.memory_space<vmem_shared>>
      tpu.wait_indirect_dma semaphore(%arg28 : memref<!tpu.dma_semaphore, #tpu.memory_space<semaphore_mem>>) src(%dma_wait3A_573 : memref<37x128xf32, #tpu.memory_space<vmem_shared>>) dst(%arg23 : memref<200x128xf32, #tpu.memory_space<vmem>>)
      %dma_start3A = arith.constant 0 : i32
      %dma_start3A_574 = arith.constant 0 : i32
      %dma_start3A_575 = tpu.memref_slice %arg4[%add3A_424, %dma_start3A, %dma_start3A_574] : memref<500x200x128xf32, #tpu.memory_space<hbm>> -> memref<1x200x128xf32, #tpu.memory_space<hbm>>
      %dma_start3A_576 = tpu.memref_squeeze %dma_start3A_575 : memref<1x200x128xf32, #tpu.memory_space<hbm>> -> memref<200x128xf32, #tpu.memory_space<hbm>>
      %dma_start3A_577 = arith.constant 0 : i32
      %dma_start3A_578 = arith.constant 0 : i32
      %dma_start3A_579 = tpu.memref_slice %arg4[%add3A_424, %dma_start3A_577, %dma_start3A_578] : memref<500x200x128xf32, #tpu.memory_space<hbm>> -> memref<1x200x128xf32, #tpu.memory_space<hbm>>
      %dma_start3A_580 = tpu.memref_squeeze %dma_start3A_579 : memref<1x200x128xf32, #tpu.memory_space<hbm>> -> memref<200x128xf32, #tpu.memory_space<hbm>>
      tpu.enqueue_dma source(%arg23 : memref<200x128xf32, #tpu.memory_space<vmem>>) target(%dma_start3A_580 : memref<200x128xf32, #tpu.memory_space<hbm>>) target_semaphore(%arg32 : memref<!tpu.dma_semaphore, #tpu.memory_space<semaphore_mem>>)
    } else {
    }
    %add3A_439 = arith.constant 320 : i32
    %add3A_440 = arith.addi %add3A, %add3A_439 : i32
    %add3A_441 = arith.constant 416 : i32
    %add3A_442 = arith.addi %add3A, %add3A_441 : i32
    %lt3A_443 = arith.constant 500 : i32
    %lt3A_444 = arith.cmpi slt, %add3A_442, %lt3A_443 : i32
    %convert_element_type3A_445 = arith.extui %lt3A_444 : i1 to i32
    %cond3A_446 = arith.constant 0 : i32
    %cond3A_447 = arith.cmpi ne, %convert_element_type3A_445, %cond3A_446 : i32
    scf.if %cond3A_447 {
      %dma_wait3A = arith.constant 0 : i32
      %dma_wait3A_572 = arith.constant 0 : i32
      %dma_wait3A_573 = tpu.memref_slice %arg4[%add3A_424, %dma_wait3A, %dma_wait3A_572] : memref<500x200x128xf32, #tpu.memory_space<hbm>> -> memref<1x200x128xf32, #tpu.memory_space<hbm>>
      %dma_wait3A_574 = tpu.memref_squeeze %dma_wait3A_573 : memref<1x200x128xf32, #tpu.memory_space<hbm>> -> memref<200x128xf32, #tpu.memory_space<hbm>>
      %dma_wait3A_575 = arith.constant 0 : i32
      %dma_wait3A_576 = arith.constant 0 : i32
      %dma_wait3A_577 = tpu.memref_slice %arg4[%add3A_424, %dma_wait3A_575, %dma_wait3A_576] : memref<500x200x128xf32, #tpu.memory_space<hbm>> -> memref<1x200x128xf32, #tpu.memory_space<hbm>>
      %dma_wait3A_578 = tpu.memref_squeeze %dma_wait3A_577 : memref<1x200x128xf32, #tpu.memory_space<hbm>> -> memref<200x128xf32, #tpu.memory_space<hbm>>
      tpu.wait_dma2 semaphore(%arg32 : memref<!tpu.dma_semaphore, #tpu.memory_space<semaphore_mem>>) src(%arg23 : memref<200x128xf32, #tpu.memory_space<vmem>>) dst(%dma_wait3A_578 : memref<200x128xf32, #tpu.memory_space<hbm>>)
      %dma_start3A = arith.constant 0 : i32
      %dma_start3A_579 = arith.constant 0 : i32
      %dma_start3A_580 = tpu.memref_slice %arg5[%dma_start3A, %dma_start3A_579] : memref<37x128xf32, #tpu.memory_space<vmem_shared>> -> memref<37x128xf32, #tpu.memory_space<vmem_shared>>
      tpu.enqueue_indirect_dma source(%dma_start3A_580 : memref<37x128xf32, #tpu.memory_space<vmem_shared>>) target(%arg23 : memref<200x128xf32, #tpu.memory_space<vmem>>) offsets(%arg19 : memref<200xi32, #tpu.memory_space<vmem>>) semaphore(%arg28 : memref<!tpu.dma_semaphore, #tpu.memory_space<semaphore_mem>>)
    } else {
    }
    %add3A_448 = arith.constant 320 : i32
    %add3A_449 = arith.addi %add3A, %add3A_448 : i32
    %lt3A_450 = arith.constant 500 : i32
    %lt3A_451 = arith.cmpi slt, %add3A_449, %lt3A_450 : i32
    %convert_element_type3A_452 = arith.extui %lt3A_451 : i1 to i32
    %cond3A_453 = arith.constant 0 : i32
    %cond3A_454 = arith.cmpi ne, %convert_element_type3A_452, %cond3A_453 : i32
    scf.if %cond3A_454 {
      %dma_wait3A = arith.constant 0 : i32
      %dma_wait3A_572 = arith.constant 0 : i32
      %dma_wait3A_573 = tpu.memref_slice %arg5[%dma_wait3A, %dma_wait3A_572] : memref<37x128xf32, #tpu.memory_space<vmem_shared>> -> memref<37x128xf32, #tpu.memory_space<vmem_shared>>
      tpu.wait_indirect_dma semaphore(%arg29 : memref<!tpu.dma_semaphore, #tpu.memory_space<semaphore_mem>>) src(%dma_wait3A_573 : memref<37x128xf32, #tpu.memory_space<vmem_shared>>) dst(%arg24 : memref<200x128xf32, #tpu.memory_space<vmem>>)
      %dma_start3A = arith.constant 0 : i32
      %dma_start3A_574 = arith.constant 0 : i32
      %dma_start3A_575 = tpu.memref_slice %arg4[%add3A_440, %dma_start3A, %dma_start3A_574] : memref<500x200x128xf32, #tpu.memory_space<hbm>> -> memref<1x200x128xf32, #tpu.memory_space<hbm>>
      %dma_start3A_576 = tpu.memref_squeeze %dma_start3A_575 : memref<1x200x128xf32, #tpu.memory_space<hbm>> -> memref<200x128xf32, #tpu.memory_space<hbm>>
      %dma_start3A_577 = arith.constant 0 : i32
      %dma_start3A_578 = arith.constant 0 : i32
      %dma_start3A_579 = tpu.memref_slice %arg4[%add3A_440, %dma_start3A_577, %dma_start3A_578] : memref<500x200x128xf32, #tpu.memory_space<hbm>> -> memref<1x200x128xf32, #tpu.memory_space<hbm>>
      %dma_start3A_580 = tpu.memref_squeeze %dma_start3A_579 : memref<1x200x128xf32, #tpu.memory_space<hbm>> -> memref<200x128xf32, #tpu.memory_space<hbm>>
      tpu.enqueue_dma source(%arg24 : memref<200x128xf32, #tpu.memory_space<vmem>>) target(%dma_start3A_580 : memref<200x128xf32, #tpu.memory_space<hbm>>) target_semaphore(%arg33 : memref<!tpu.dma_semaphore, #tpu.memory_space<semaphore_mem>>)
    } else {
    }
    %add3A_455 = arith.constant 352 : i32
    %add3A_456 = arith.addi %add3A, %add3A_455 : i32
    %add3A_457 = arith.constant 448 : i32
    %add3A_458 = arith.addi %add3A, %add3A_457 : i32
    %lt3A_459 = arith.constant 500 : i32
    %lt3A_460 = arith.cmpi slt, %add3A_458, %lt3A_459 : i32
    %convert_element_type3A_461 = arith.extui %lt3A_460 : i1 to i32
    %cond3A_462 = arith.constant 0 : i32
    %cond3A_463 = arith.cmpi ne, %convert_element_type3A_461, %cond3A_462 : i32
    scf.if %cond3A_463 {
      %dma_wait3A = arith.constant 0 : i32
      %dma_wait3A_572 = arith.constant 0 : i32
      %dma_wait3A_573 = tpu.memref_slice %arg4[%add3A_440, %dma_wait3A, %dma_wait3A_572] : memref<500x200x128xf32, #tpu.memory_space<hbm>> -> memref<1x200x128xf32, #tpu.memory_space<hbm>>
      %dma_wait3A_574 = tpu.memref_squeeze %dma_wait3A_573 : memref<1x200x128xf32, #tpu.memory_space<hbm>> -> memref<200x128xf32, #tpu.memory_space<hbm>>
      %dma_wait3A_575 = arith.constant 0 : i32
      %dma_wait3A_576 = arith.constant 0 : i32
      %dma_wait3A_577 = tpu.memref_slice %arg4[%add3A_440, %dma_wait3A_575, %dma_wait3A_576] : memref<500x200x128xf32, #tpu.memory_space<hbm>> -> memref<1x200x128xf32, #tpu.memory_space<hbm>>
      %dma_wait3A_578 = tpu.memref_squeeze %dma_wait3A_577 : memref<1x200x128xf32, #tpu.memory_space<hbm>> -> memref<200x128xf32, #tpu.memory_space<hbm>>
      tpu.wait_dma2 semaphore(%arg33 : memref<!tpu.dma_semaphore, #tpu.memory_space<semaphore_mem>>) src(%arg24 : memref<200x128xf32, #tpu.memory_space<vmem>>) dst(%dma_wait3A_578 : memref<200x128xf32, #tpu.memory_space<hbm>>)
      %dma_start3A = arith.constant 0 : i32
      %dma_start3A_579 = arith.constant 0 : i32
      %dma_start3A_580 = tpu.memref_slice %arg5[%dma_start3A, %dma_start3A_579] : memref<37x128xf32, #tpu.memory_space<vmem_shared>> -> memref<37x128xf32, #tpu.memory_space<vmem_shared>>
      tpu.enqueue_indirect_dma source(%dma_start3A_580 : memref<37x128xf32, #tpu.memory_space<vmem_shared>>) target(%arg24 : memref<200x128xf32, #tpu.memory_space<vmem>>) offsets(%arg20 : memref<200xi32, #tpu.memory_space<vmem>>) semaphore(%arg29 : memref<!tpu.dma_semaphore, #tpu.memory_space<semaphore_mem>>)
    } else {
    }
    %add3A_464 = arith.constant 352 : i32
    %add3A_465 = arith.addi %add3A, %add3A_464 : i32
    %lt3A_466 = arith.constant 500 : i32
    %lt3A_467 = arith.cmpi slt, %add3A_465, %lt3A_466 : i32
    %convert_element_type3A_468 = arith.extui %lt3A_467 : i1 to i32
    %cond3A_469 = arith.constant 0 : i32
    %cond3A_470 = arith.cmpi ne, %convert_element_type3A_468, %cond3A_469 : i32
    scf.if %cond3A_470 {
      %dma_wait3A = arith.constant 0 : i32
      %dma_wait3A_572 = arith.constant 0 : i32
      %dma_wait3A_573 = tpu.memref_slice %arg5[%dma_wait3A, %dma_wait3A_572] : memref<37x128xf32, #tpu.memory_space<vmem_shared>> -> memref<37x128xf32, #tpu.memory_space<vmem_shared>>
      tpu.wait_indirect_dma semaphore(%arg30 : memref<!tpu.dma_semaphore, #tpu.memory_space<semaphore_mem>>) src(%dma_wait3A_573 : memref<37x128xf32, #tpu.memory_space<vmem_shared>>) dst(%arg25 : memref<200x128xf32, #tpu.memory_space<vmem>>)
      %dma_start3A = arith.constant 0 : i32
      %dma_start3A_574 = arith.constant 0 : i32
      %dma_start3A_575 = tpu.memref_slice %arg4[%add3A_456, %dma_start3A, %dma_start3A_574] : memref<500x200x128xf32, #tpu.memory_space<hbm>> -> memref<1x200x128xf32, #tpu.memory_space<hbm>>
      %dma_start3A_576 = tpu.memref_squeeze %dma_start3A_575 : memref<1x200x128xf32, #tpu.memory_space<hbm>> -> memref<200x128xf32, #tpu.memory_space<hbm>>
      %dma_start3A_577 = arith.constant 0 : i32
      %dma_start3A_578 = arith.constant 0 : i32
      %dma_start3A_579 = tpu.memref_slice %arg4[%add3A_456, %dma_start3A_577, %dma_start3A_578] : memref<500x200x128xf32, #tpu.memory_space<hbm>> -> memref<1x200x128xf32, #tpu.memory_space<hbm>>
      %dma_start3A_580 = tpu.memref_squeeze %dma_start3A_579 : memref<1x200x128xf32, #tpu.memory_space<hbm>> -> memref<200x128xf32, #tpu.memory_space<hbm>>
      tpu.enqueue_dma source(%arg25 : memref<200x128xf32, #tpu.memory_space<vmem>>) target(%dma_start3A_580 : memref<200x128xf32, #tpu.memory_space<hbm>>) target_semaphore(%arg34 : memref<!tpu.dma_semaphore, #tpu.memory_space<semaphore_mem>>)
    } else {
    }
    %add3A_471 = arith.constant 384 : i32
    %add3A_472 = arith.addi %add3A, %add3A_471 : i32
    %add3A_473 = arith.constant 480 : i32
    %add3A_474 = arith.addi %add3A, %add3A_473 : i32
    %lt3A_475 = arith.constant 500 : i32
    %lt3A_476 = arith.cmpi slt, %add3A_474, %lt3A_475 : i32
    %convert_element_type3A_477 = arith.extui %lt3A_476 : i1 to i32
    %cond3A_478 = arith.constant 0 : i32
    %cond3A_479 = arith.cmpi ne, %convert_element_type3A_477, %cond3A_478 : i32
    scf.if %cond3A_479 {
      %dma_wait3A = arith.constant 0 : i32
      %dma_wait3A_572 = arith.constant 0 : i32
      %dma_wait3A_573 = tpu.memref_slice %arg4[%add3A_456, %dma_wait3A, %dma_wait3A_572] : memref<500x200x128xf32, #tpu.memory_space<hbm>> -> memref<1x200x128xf32, #tpu.memory_space<hbm>>
      %dma_wait3A_574 = tpu.memref_squeeze %dma_wait3A_573 : memref<1x200x128xf32, #tpu.memory_space<hbm>> -> memref<200x128xf32, #tpu.memory_space<hbm>>
      %dma_wait3A_575 = arith.constant 0 : i32
      %dma_wait3A_576 = arith.constant 0 : i32
      %dma_wait3A_577 = tpu.memref_slice %arg4[%add3A_456, %dma_wait3A_575, %dma_wait3A_576] : memref<500x200x128xf32, #tpu.memory_space<hbm>> -> memref<1x200x128xf32, #tpu.memory_space<hbm>>
      %dma_wait3A_578 = tpu.memref_squeeze %dma_wait3A_577 : memref<1x200x128xf32, #tpu.memory_space<hbm>> -> memref<200x128xf32, #tpu.memory_space<hbm>>
      tpu.wait_dma2 semaphore(%arg34 : memref<!tpu.dma_semaphore, #tpu.memory_space<semaphore_mem>>) src(%arg25 : memref<200x128xf32, #tpu.memory_space<vmem>>) dst(%dma_wait3A_578 : memref<200x128xf32, #tpu.memory_space<hbm>>)
      %dma_start3A = arith.constant 0 : i32
      %dma_start3A_579 = arith.constant 0 : i32
      %dma_start3A_580 = tpu.memref_slice %arg5[%dma_start3A, %dma_start3A_579] : memref<37x128xf32, #tpu.memory_space<vmem_shared>> -> memref<37x128xf32, #tpu.memory_space<vmem_shared>>
      tpu.enqueue_indirect_dma source(%dma_start3A_580 : memref<37x128xf32, #tpu.memory_space<vmem_shared>>) target(%arg25 : memref<200x128xf32, #tpu.memory_space<vmem>>) offsets(%arg21 : memref<200xi32, #tpu.memory_space<vmem>>) semaphore(%arg30 : memref<!tpu.dma_semaphore, #tpu.memory_space<semaphore_mem>>)
    } else {
    }
    %add3A_480 = arith.constant 384 : i32
    %add3A_481 = arith.addi %add3A, %add3A_480 : i32
    %lt3A_482 = arith.constant 500 : i32
    %lt3A_483 = arith.cmpi slt, %add3A_481, %lt3A_482 : i32
    %convert_element_type3A_484 = arith.extui %lt3A_483 : i1 to i32
    %cond3A_485 = arith.constant 0 : i32
    %cond3A_486 = arith.cmpi ne, %convert_element_type3A_484, %cond3A_485 : i32
    scf.if %cond3A_486 {
      %dma_wait3A = arith.constant 0 : i32
      %dma_wait3A_572 = arith.constant 0 : i32
      %dma_wait3A_573 = tpu.memref_slice %arg5[%dma_wait3A, %dma_wait3A_572] : memref<37x128xf32, #tpu.memory_space<vmem_shared>> -> memref<37x128xf32, #tpu.memory_space<vmem_shared>>
      tpu.wait_indirect_dma semaphore(%arg27 : memref<!tpu.dma_semaphore, #tpu.memory_space<semaphore_mem>>) src(%dma_wait3A_573 : memref<37x128xf32, #tpu.memory_space<vmem_shared>>) dst(%arg22 : memref<200x128xf32, #tpu.memory_space<vmem>>)
      %dma_start3A = arith.constant 0 : i32
      %dma_start3A_574 = arith.constant 0 : i32
      %dma_start3A_575 = tpu.memref_slice %arg4[%add3A_472, %dma_start3A, %dma_start3A_574] : memref<500x200x128xf32, #tpu.memory_space<hbm>> -> memref<1x200x128xf32, #tpu.memory_space<hbm>>
      %dma_start3A_576 = tpu.memref_squeeze %dma_start3A_575 : memref<1x200x128xf32, #tpu.memory_space<hbm>> -> memref<200x128xf32, #tpu.memory_space<hbm>>
      %dma_start3A_577 = arith.constant 0 : i32
      %dma_start3A_578 = arith.constant 0 : i32
      %dma_start3A_579 = tpu.memref_slice %arg4[%add3A_472, %dma_start3A_577, %dma_start3A_578] : memref<500x200x128xf32, #tpu.memory_space<hbm>> -> memref<1x200x128xf32, #tpu.memory_space<hbm>>
      %dma_start3A_580 = tpu.memref_squeeze %dma_start3A_579 : memref<1x200x128xf32, #tpu.memory_space<hbm>> -> memref<200x128xf32, #tpu.memory_space<hbm>>
      tpu.enqueue_dma source(%arg22 : memref<200x128xf32, #tpu.memory_space<vmem>>) target(%dma_start3A_580 : memref<200x128xf32, #tpu.memory_space<hbm>>) target_semaphore(%arg31 : memref<!tpu.dma_semaphore, #tpu.memory_space<semaphore_mem>>)
    } else {
    }
    %add3A_487 = arith.constant 416 : i32
    %add3A_488 = arith.addi %add3A, %add3A_487 : i32
    %add3A_489 = arith.constant 416 : i32
    %add3A_490 = arith.addi %add3A, %add3A_489 : i32
    %lt3A_491 = arith.constant 500 : i32
    %lt3A_492 = arith.cmpi slt, %add3A_490, %lt3A_491 : i32
    %convert_element_type3A_493 = arith.extui %lt3A_492 : i1 to i32
    %cond3A_494 = arith.constant 0 : i32
    %cond3A_495 = arith.cmpi ne, %convert_element_type3A_493, %cond3A_494 : i32
    scf.if %cond3A_495 {
      %dma_wait3A = arith.constant 0 : i32
      %dma_wait3A_572 = arith.constant 0 : i32
      %dma_wait3A_573 = tpu.memref_slice %arg5[%dma_wait3A, %dma_wait3A_572] : memref<37x128xf32, #tpu.memory_space<vmem_shared>> -> memref<37x128xf32, #tpu.memory_space<vmem_shared>>
      tpu.wait_indirect_dma semaphore(%arg28 : memref<!tpu.dma_semaphore, #tpu.memory_space<semaphore_mem>>) src(%dma_wait3A_573 : memref<37x128xf32, #tpu.memory_space<vmem_shared>>) dst(%arg23 : memref<200x128xf32, #tpu.memory_space<vmem>>)
      %dma_start3A = arith.constant 0 : i32
      %dma_start3A_574 = arith.constant 0 : i32
      %dma_start3A_575 = tpu.memref_slice %arg4[%add3A_488, %dma_start3A, %dma_start3A_574] : memref<500x200x128xf32, #tpu.memory_space<hbm>> -> memref<1x200x128xf32, #tpu.memory_space<hbm>>
      %dma_start3A_576 = tpu.memref_squeeze %dma_start3A_575 : memref<1x200x128xf32, #tpu.memory_space<hbm>> -> memref<200x128xf32, #tpu.memory_space<hbm>>
      %dma_start3A_577 = arith.constant 0 : i32
      %dma_start3A_578 = arith.constant 0 : i32
      %dma_start3A_579 = tpu.memref_slice %arg4[%add3A_488, %dma_start3A_577, %dma_start3A_578] : memref<500x200x128xf32, #tpu.memory_space<hbm>> -> memref<1x200x128xf32, #tpu.memory_space<hbm>>
      %dma_start3A_580 = tpu.memref_squeeze %dma_start3A_579 : memref<1x200x128xf32, #tpu.memory_space<hbm>> -> memref<200x128xf32, #tpu.memory_space<hbm>>
      tpu.enqueue_dma source(%arg23 : memref<200x128xf32, #tpu.memory_space<vmem>>) target(%dma_start3A_580 : memref<200x128xf32, #tpu.memory_space<hbm>>) target_semaphore(%arg32 : memref<!tpu.dma_semaphore, #tpu.memory_space<semaphore_mem>>)
    } else {
    }
    %add3A_496 = arith.constant 448 : i32
    %add3A_497 = arith.addi %add3A, %add3A_496 : i32
    %add3A_498 = arith.constant 448 : i32
    %add3A_499 = arith.addi %add3A, %add3A_498 : i32
    %lt3A_500 = arith.constant 500 : i32
    %lt3A_501 = arith.cmpi slt, %add3A_499, %lt3A_500 : i32
    %convert_element_type3A_502 = arith.extui %lt3A_501 : i1 to i32
    %cond3A_503 = arith.constant 0 : i32
    %cond3A_504 = arith.cmpi ne, %convert_element_type3A_502, %cond3A_503 : i32
    scf.if %cond3A_504 {
      %dma_wait3A = arith.constant 0 : i32
      %dma_wait3A_572 = arith.constant 0 : i32
      %dma_wait3A_573 = tpu.memref_slice %arg5[%dma_wait3A, %dma_wait3A_572] : memref<37x128xf32, #tpu.memory_space<vmem_shared>> -> memref<37x128xf32, #tpu.memory_space<vmem_shared>>
      tpu.wait_indirect_dma semaphore(%arg29 : memref<!tpu.dma_semaphore, #tpu.memory_space<semaphore_mem>>) src(%dma_wait3A_573 : memref<37x128xf32, #tpu.memory_space<vmem_shared>>) dst(%arg24 : memref<200x128xf32, #tpu.memory_space<vmem>>)
      %dma_start3A = arith.constant 0 : i32
      %dma_start3A_574 = arith.constant 0 : i32
      %dma_start3A_575 = tpu.memref_slice %arg4[%add3A_497, %dma_start3A, %dma_start3A_574] : memref<500x200x128xf32, #tpu.memory_space<hbm>> -> memref<1x200x128xf32, #tpu.memory_space<hbm>>
      %dma_start3A_576 = tpu.memref_squeeze %dma_start3A_575 : memref<1x200x128xf32, #tpu.memory_space<hbm>> -> memref<200x128xf32, #tpu.memory_space<hbm>>
      %dma_start3A_577 = arith.constant 0 : i32
      %dma_start3A_578 = arith.constant 0 : i32
      %dma_start3A_579 = tpu.memref_slice %arg4[%add3A_497, %dma_start3A_577, %dma_start3A_578] : memref<500x200x128xf32, #tpu.memory_space<hbm>> -> memref<1x200x128xf32, #tpu.memory_space<hbm>>
      %dma_start3A_580 = tpu.memref_squeeze %dma_start3A_579 : memref<1x200x128xf32, #tpu.memory_space<hbm>> -> memref<200x128xf32, #tpu.memory_space<hbm>>
      tpu.enqueue_dma source(%arg24 : memref<200x128xf32, #tpu.memory_space<vmem>>) target(%dma_start3A_580 : memref<200x128xf32, #tpu.memory_space<hbm>>) target_semaphore(%arg33 : memref<!tpu.dma_semaphore, #tpu.memory_space<semaphore_mem>>)
    } else {
    }
    %add3A_505 = arith.constant 480 : i32
    %add3A_506 = arith.addi %add3A, %add3A_505 : i32
    %add3A_507 = arith.constant 480 : i32
    %add3A_508 = arith.addi %add3A, %add3A_507 : i32
    %lt3A_509 = arith.constant 500 : i32
    %lt3A_510 = arith.cmpi slt, %add3A_508, %lt3A_509 : i32
    %convert_element_type3A_511 = arith.extui %lt3A_510 : i1 to i32
    %cond3A_512 = arith.constant 0 : i32
    %cond3A_513 = arith.cmpi ne, %convert_element_type3A_511, %cond3A_512 : i32
    scf.if %cond3A_513 {
      %dma_wait3A = arith.constant 0 : i32
      %dma_wait3A_572 = arith.constant 0 : i32
      %dma_wait3A_573 = tpu.memref_slice %arg5[%dma_wait3A, %dma_wait3A_572] : memref<37x128xf32, #tpu.memory_space<vmem_shared>> -> memref<37x128xf32, #tpu.memory_space<vmem_shared>>
      tpu.wait_indirect_dma semaphore(%arg30 : memref<!tpu.dma_semaphore, #tpu.memory_space<semaphore_mem>>) src(%dma_wait3A_573 : memref<37x128xf32, #tpu.memory_space<vmem_shared>>) dst(%arg25 : memref<200x128xf32, #tpu.memory_space<vmem>>)
      %dma_start3A = arith.constant 0 : i32
      %dma_start3A_574 = arith.constant 0 : i32
      %dma_start3A_575 = tpu.memref_slice %arg4[%add3A_506, %dma_start3A, %dma_start3A_574] : memref<500x200x128xf32, #tpu.memory_space<hbm>> -> memref<1x200x128xf32, #tpu.memory_space<hbm>>
      %dma_start3A_576 = tpu.memref_squeeze %dma_start3A_575 : memref<1x200x128xf32, #tpu.memory_space<hbm>> -> memref<200x128xf32, #tpu.memory_space<hbm>>
      %dma_start3A_577 = arith.constant 0 : i32
      %dma_start3A_578 = arith.constant 0 : i32
      %dma_start3A_579 = tpu.memref_slice %arg4[%add3A_506, %dma_start3A_577, %dma_start3A_578] : memref<500x200x128xf32, #tpu.memory_space<hbm>> -> memref<1x200x128xf32, #tpu.memory_space<hbm>>
      %dma_start3A_580 = tpu.memref_squeeze %dma_start3A_579 : memref<1x200x128xf32, #tpu.memory_space<hbm>> -> memref<200x128xf32, #tpu.memory_space<hbm>>
      tpu.enqueue_dma source(%arg25 : memref<200x128xf32, #tpu.memory_space<vmem>>) target(%dma_start3A_580 : memref<200x128xf32, #tpu.memory_space<hbm>>) target_semaphore(%arg34 : memref<!tpu.dma_semaphore, #tpu.memory_space<semaphore_mem>>)
    } else {
    }
    %add3A_514 = arith.constant 352 : i32
    %add3A_515 = arith.addi %add3A, %add3A_514 : i32
    %lt3A_516 = arith.constant 500 : i32
    %lt3A_517 = arith.cmpi slt, %add3A_515, %lt3A_516 : i32
    %add3A_518 = arith.constant 128 : i32
    %add3A_519 = arith.addi %add3A_515, %add3A_518 : i32
    %ge3A = arith.constant 500 : i32
    %ge3A_520 = arith.cmpi sge, %add3A_519, %ge3A : i32
    %and3A = arith.andi %lt3A_517, %ge3A_520 : i1
    %convert_element_type3A_521 = arith.extui %and3A : i1 to i32
    %cond3A_522 = arith.constant 0 : i32
    %cond3A_523 = arith.cmpi ne, %convert_element_type3A_521, %cond3A_522 : i32
    scf.if %cond3A_523 {
      %dma_wait3A = arith.constant 0 : i32
      %dma_wait3A_572 = arith.constant 0 : i32
      %dma_wait3A_573 = tpu.memref_slice %arg4[%add3A_456, %dma_wait3A, %dma_wait3A_572] : memref<500x200x128xf32, #tpu.memory_space<hbm>> -> memref<1x200x128xf32, #tpu.memory_space<hbm>>
      %dma_wait3A_574 = tpu.memref_squeeze %dma_wait3A_573 : memref<1x200x128xf32, #tpu.memory_space<hbm>> -> memref<200x128xf32, #tpu.memory_space<hbm>>
      %dma_wait3A_575 = arith.constant 0 : i32
      %dma_wait3A_576 = arith.constant 0 : i32
      %dma_wait3A_577 = tpu.memref_slice %arg4[%add3A_456, %dma_wait3A_575, %dma_wait3A_576] : memref<500x200x128xf32, #tpu.memory_space<hbm>> -> memref<1x200x128xf32, #tpu.memory_space<hbm>>
      %dma_wait3A_578 = tpu.memref_squeeze %dma_wait3A_577 : memref<1x200x128xf32, #tpu.memory_space<hbm>> -> memref<200x128xf32, #tpu.memory_space<hbm>>
      tpu.wait_dma2 semaphore(%arg34 : memref<!tpu.dma_semaphore, #tpu.memory_space<semaphore_mem>>) src(%arg25 : memref<200x128xf32, #tpu.memory_space<vmem>>) dst(%dma_wait3A_578 : memref<200x128xf32, #tpu.memory_space<hbm>>)
    } else {
    }
    %add3A_524 = arith.constant 384 : i32
    %add3A_525 = arith.addi %add3A, %add3A_524 : i32
    %lt3A_526 = arith.constant 500 : i32
    %lt3A_527 = arith.cmpi slt, %add3A_525, %lt3A_526 : i32
    %add3A_528 = arith.constant 128 : i32
    %add3A_529 = arith.addi %add3A_525, %add3A_528 : i32
    %ge3A_530 = arith.constant 500 : i32
    %ge3A_531 = arith.cmpi sge, %add3A_529, %ge3A_530 : i32
    %and3A_532 = arith.andi %lt3A_527, %ge3A_531 : i1
    %convert_element_type3A_533 = arith.extui %and3A_532 : i1 to i32
    %cond3A_534 = arith.constant 0 : i32
    %cond3A_535 = arith.cmpi ne, %convert_element_type3A_533, %cond3A_534 : i32
    scf.if %cond3A_535 {
      %dma_wait3A = arith.constant 0 : i32
      %dma_wait3A_572 = arith.constant 0 : i32
      %dma_wait3A_573 = tpu.memref_slice %arg4[%add3A_472, %dma_wait3A, %dma_wait3A_572] : memref<500x200x128xf32, #tpu.memory_space<hbm>> -> memref<1x200x128xf32, #tpu.memory_space<hbm>>
      %dma_wait3A_574 = tpu.memref_squeeze %dma_wait3A_573 : memref<1x200x128xf32, #tpu.memory_space<hbm>> -> memref<200x128xf32, #tpu.memory_space<hbm>>
      %dma_wait3A_575 = arith.constant 0 : i32
      %dma_wait3A_576 = arith.constant 0 : i32
      %dma_wait3A_577 = tpu.memref_slice %arg4[%add3A_472, %dma_wait3A_575, %dma_wait3A_576] : memref<500x200x128xf32, #tpu.memory_space<hbm>> -> memref<1x200x128xf32, #tpu.memory_space<hbm>>
      %dma_wait3A_578 = tpu.memref_squeeze %dma_wait3A_577 : memref<1x200x128xf32, #tpu.memory_space<hbm>> -> memref<200x128xf32, #tpu.memory_space<hbm>>
      tpu.wait_dma2 semaphore(%arg31 : memref<!tpu.dma_semaphore, #tpu.memory_space<semaphore_mem>>) src(%arg22 : memref<200x128xf32, #tpu.memory_space<vmem>>) dst(%dma_wait3A_578 : memref<200x128xf32, #tpu.memory_space<hbm>>)
    } else {
    }
    %add3A_536 = arith.constant 416 : i32
    %add3A_537 = arith.addi %add3A, %add3A_536 : i32
    %lt3A_538 = arith.constant 500 : i32
    %lt3A_539 = arith.cmpi slt, %add3A_537, %lt3A_538 : i32
    %add3A_540 = arith.constant 128 : i32
    %add3A_541 = arith.addi %add3A_537, %add3A_540 : i32
    %ge3A_542 = arith.constant 500 : i32
    %ge3A_543 = arith.cmpi sge, %add3A_541, %ge3A_542 : i32
    %and3A_544 = arith.andi %lt3A_539, %ge3A_543 : i1
    %convert_element_type3A_545 = arith.extui %and3A_544 : i1 to i32
    %cond3A_546 = arith.constant 0 : i32
    %cond3A_547 = arith.cmpi ne, %convert_element_type3A_545, %cond3A_546 : i32
    scf.if %cond3A_547 {
      %dma_wait3A = arith.constant 0 : i32
      %dma_wait3A_572 = arith.constant 0 : i32
      %dma_wait3A_573 = tpu.memref_slice %arg4[%add3A_488, %dma_wait3A, %dma_wait3A_572] : memref<500x200x128xf32, #tpu.memory_space<hbm>> -> memref<1x200x128xf32, #tpu.memory_space<hbm>>
      %dma_wait3A_574 = tpu.memref_squeeze %dma_wait3A_573 : memref<1x200x128xf32, #tpu.memory_space<hbm>> -> memref<200x128xf32, #tpu.memory_space<hbm>>
      %dma_wait3A_575 = arith.constant 0 : i32
      %dma_wait3A_576 = arith.constant 0 : i32
      %dma_wait3A_577 = tpu.memref_slice %arg4[%add3A_488, %dma_wait3A_575, %dma_wait3A_576] : memref<500x200x128xf32, #tpu.memory_space<hbm>> -> memref<1x200x128xf32, #tpu.memory_space<hbm>>
      %dma_wait3A_578 = tpu.memref_squeeze %dma_wait3A_577 : memref<1x200x128xf32, #tpu.memory_space<hbm>> -> memref<200x128xf32, #tpu.memory_space<hbm>>
      tpu.wait_dma2 semaphore(%arg32 : memref<!tpu.dma_semaphore, #tpu.memory_space<semaphore_mem>>) src(%arg23 : memref<200x128xf32, #tpu.memory_space<vmem>>) dst(%dma_wait3A_578 : memref<200x128xf32, #tpu.memory_space<hbm>>)
    } else {
    }
    %add3A_548 = arith.constant 448 : i32
    %add3A_549 = arith.addi %add3A, %add3A_548 : i32
    %lt3A_550 = arith.constant 500 : i32
    %lt3A_551 = arith.cmpi slt, %add3A_549, %lt3A_550 : i32
    %add3A_552 = arith.constant 128 : i32
    %add3A_553 = arith.addi %add3A_549, %add3A_552 : i32
    %ge3A_554 = arith.constant 500 : i32
    %ge3A_555 = arith.cmpi sge, %add3A_553, %ge3A_554 : i32
    %and3A_556 = arith.andi %lt3A_551, %ge3A_555 : i1
    %convert_element_type3A_557 = arith.extui %and3A_556 : i1 to i32
    %cond3A_558 = arith.constant 0 : i32
    %cond3A_559 = arith.cmpi ne, %convert_element_type3A_557, %cond3A_558 : i32
    scf.if %cond3A_559 {
      %dma_wait3A = arith.constant 0 : i32
      %dma_wait3A_572 = arith.constant 0 : i32
      %dma_wait3A_573 = tpu.memref_slice %arg4[%add3A_497, %dma_wait3A, %dma_wait3A_572] : memref<500x200x128xf32, #tpu.memory_space<hbm>> -> memref<1x200x128xf32, #tpu.memory_space<hbm>>
      %dma_wait3A_574 = tpu.memref_squeeze %dma_wait3A_573 : memref<1x200x128xf32, #tpu.memory_space<hbm>> -> memref<200x128xf32, #tpu.memory_space<hbm>>
      %dma_wait3A_575 = arith.constant 0 : i32
      %dma_wait3A_576 = arith.constant 0 : i32
      %dma_wait3A_577 = tpu.memref_slice %arg4[%add3A_497, %dma_wait3A_575, %dma_wait3A_576] : memref<500x200x128xf32, #tpu.memory_space<hbm>> -> memref<1x200x128xf32, #tpu.memory_space<hbm>>
      %dma_wait3A_578 = tpu.memref_squeeze %dma_wait3A_577 : memref<1x200x128xf32, #tpu.memory_space<hbm>> -> memref<200x128xf32, #tpu.memory_space<hbm>>
      tpu.wait_dma2 semaphore(%arg33 : memref<!tpu.dma_semaphore, #tpu.memory_space<semaphore_mem>>) src(%arg24 : memref<200x128xf32, #tpu.memory_space<vmem>>) dst(%dma_wait3A_578 : memref<200x128xf32, #tpu.memory_space<hbm>>)
    } else {
    }
    %add3A_560 = arith.constant 480 : i32
    %add3A_561 = arith.addi %add3A, %add3A_560 : i32
    %lt3A_562 = arith.constant 500 : i32
    %lt3A_563 = arith.cmpi slt, %add3A_561, %lt3A_562 : i32
    %add3A_564 = arith.constant 128 : i32
    %add3A_565 = arith.addi %add3A_561, %add3A_564 : i32
    %ge3A_566 = arith.constant 500 : i32
    %ge3A_567 = arith.cmpi sge, %add3A_565, %ge3A_566 : i32
    %and3A_568 = arith.andi %lt3A_563, %ge3A_567 : i1
    %convert_element_type3A_569 = arith.extui %and3A_568 : i1 to i32
    %cond3A_570 = arith.constant 0 : i32
    %cond3A_571 = arith.cmpi ne, %convert_element_type3A_569, %cond3A_570 : i32
    scf.if %cond3A_571 {
      %dma_wait3A = arith.constant 0 : i32
      %dma_wait3A_572 = arith.constant 0 : i32
      %dma_wait3A_573 = tpu.memref_slice %arg4[%add3A_506, %dma_wait3A, %dma_wait3A_572] : memref<500x200x128xf32, #tpu.memory_space<hbm>> -> memref<1x200x128xf32, #tpu.memory_space<hbm>>
      %dma_wait3A_574 = tpu.memref_squeeze %dma_wait3A_573 : memref<1x200x128xf32, #tpu.memory_space<hbm>> -> memref<200x128xf32, #tpu.memory_space<hbm>>
      %dma_wait3A_575 = arith.constant 0 : i32
      %dma_wait3A_576 = arith.constant 0 : i32
      %dma_wait3A_577 = tpu.memref_slice %arg4[%add3A_506, %dma_wait3A_575, %dma_wait3A_576] : memref<500x200x128xf32, #tpu.memory_space<hbm>> -> memref<1x200x128xf32, #tpu.memory_space<hbm>>
      %dma_wait3A_578 = tpu.memref_squeeze %dma_wait3A_577 : memref<1x200x128xf32, #tpu.memory_space<hbm>> -> memref<200x128xf32, #tpu.memory_space<hbm>>
      tpu.wait_dma2 semaphore(%arg34 : memref<!tpu.dma_semaphore, #tpu.memory_space<semaphore_mem>>) src(%arg25 : memref<200x128xf32, #tpu.memory_space<vmem>>) dst(%dma_wait3A_578 : memref<200x128xf32, #tpu.memory_space<hbm>>)
    } else {
    }
    return
  }
}

</mosaic_0001>

<sc_bundles>
// kernel: _embed.3.cloned.1.call-start
scs
__scs_entry_jumppad:
0x0: {  	(pc) =	sbr.rel $0x88, $3  }
0x1: {  	(tag) =	ssettag $0x0;
	lr =	simm.s32 $0x1  }
0x2: {  	[smem:$0x3F9F] =	sst lr;
	_ =	strace $0xD0000000  }
0x3: {  	_ = 	snop  }
0x4: {  	_ = 	snop  }
0x5: {  	_ = 	snop  }
0x6: {  	_ = 	snop  }
0x7: {  	_ = 	snop  }
__scs_overlays_trampoline_lowered:
0x8: {  	[smem:$0x3FAE] =	sst s0  }
0x9: {  	[smem:$0x3FAF] =	sst s1  }
0xa: {  	[smem:$0x3FB0] =	sst s2  }
0xb: {  	[smem:$0x3FB1] =	sst s3  }
0xc: {  	[smem:$0x3FB2] =	sst s4  }
0xd: {  	[smem:$0x3FB3] =	sst s5  }
0xe: {  	[smem:$0x3FB4] =	sst s6  }
0xf: {  	[smem:$0x3FB5] =	sst s7  }
0x10: {  	[smem:$0x3FB6] =	sst s8  }
0x11: {  	[smem:$0x3FB7] =	sst s9;
	s0 =	simm.s32 @!p0 $0x0  }
0x12: {  	s1 =	sld [smem:$0x3F9D];
	s0 =	simm.s32 @p0 $0x1  }
0x13: {  	[smem:$0x3FB8] =	sst s0;
	s0 =	simm.s32 @!p1 $0x0  }
0x14: {  	s2 =	sld [smem:$0x3F9C];
	s0 =	simm.s32 @p1 $0x1  }
0x15: {  	[smem:$0x3FB9] =	sst s0;
	s0 =	simm.s32 @!p2 $0x0  }
0x16: {  	s3 =	sld [smem:$0x3FDB];
	s0 =	simm.s32 @p2 $0x1  }
0x17: {  	s4 =	simm.s32 $0x1BF5;
	[smem:$0x3FBB] =	sst s0  }
0x18: {  	s0 =	sld [smem:$0x3F9E];
	_ =	swait.ge [sflag:s4], $0x0  }
0x19: {  	s7 =	sld [smem:$0x3F9F]  }
0x1a: {  	s8 =	sadd.s32 $0xFFFFE003, lr  }
0x1b: {  	s9 =	sadd.s32 $0xFFFFFEF7, lr;
	s5 =	simm.s32 $0xFFFFFFFF;
	p2 =	slt.u32 s8, $0xFFFFF086  }
0x1c: {  	p1 =	slt.u32 s9, $0xF7A;
	s5 =	simm.s32 @!p2 $0x0  }
0x1d: {  	s5 =	simm.s32 @p1 $0x1;
	p0 =	seq.s32 s7, s2  }
0x1e: {  	s7 =	smul.u32 @!p0 $0xF7A, s2;
	p2 =	seq.s32 @!p0 s5, $0x0  }
0x1f: {  	s9 =	smul.u32 $0xF7A, s1;
	s8 =	simm.s32 @!p0 $0x1BF5;
	p2 =	por !p2, p0  }
0x20: {  	[sflag:s8] =	ssyncset.s32 @!p0 $0xFFFFF086;
	s6 =	sadd.s32 @!p0 s3, s7;
	s7 =	simm.s32 @!p0 $0x108  }
0x21: {  	s3 =	sadd.s32 s3, s9;
	s6 =	sadd.s32 @!p0 $0x88, s6;
	s7 =	simm.s32 @p2 $0x1082  }
0x22: {  	[simem:s7], [sflag:s8] =	dma.local @!p0 [hbm:s6], $0xF7A  }
0x23: {  	s9 =	sor.u32 $0xD0000000, s2;
	s6 =	simm.s32 $0x108;
	_ =	swait.ge @!p0 [sflag:s8], $0x0  }
0x24: {  	s3 =	sadd.s32 $0x88, s3;
	s6 =	simm.s32 @!p1 $0x1082;
	[sflag:s4] =	ssyncset.s32 $0xFFFFF086  }
0x25: {  	[simem:s6], [sflag:s4] =	dma.local [hbm:s3], $0xF7A  }
0x26: {  	[smem:$0x3F9F] =	sst s1;
	(tag) =	ssettag s2;
	_ =	strace s9  }
0x27: {  	s1 =	sld [smem:$0x3FAF]  }
0x28: {  	s2 =	sld [smem:$0x3FB0]  }
0x29: {  	s4 =	sld [smem:$0x3FB2]  }
0x2a: {  	p0 =	seq.s32 s5, $0x0;
	s5 =	sld [smem:$0x3FB3]  }
0x2b: {  	s6 =	sld [smem:$0x3FB4]  }
0x2c: {  	s7 =	sld [smem:$0x3FB5]  }
0x2d: {  	s3 =	simm.s32 $0x108;
	s8 =	sld [smem:$0x3FB6]  }
0x2e: {  	s3 =	simm.s32 @!p0 $0x1082;
	s9 =	sld [smem:$0x3FB7]  }
0x2f: {  	lr =	sadd.s32 s0, s3;
	s0 =	sld [smem:$0x3FAE]  }
0x30: {  	s3 =	sld [smem:$0x3FB1]  }
0x31: {  	[smem:$0x3FBA] =	sst s10  }
0x32: {  	s10 =	sld [smem:$0x3FB8];
	_ =	sdelay $0x3  }
0x33: {  	p0 =	seq.s32 s10, $0x1;
	s10 =	sld [smem:$0x3FBA];
	_ =	sdelay $0x3  }
0x34: {  	[smem:$0x3FBA] =	sst s10  }
0x35: {  	s10 =	sld [smem:$0x3FB9];
	_ =	sdelay $0x3  }
0x36: {  	p1 =	seq.s32 s10, $0x1;
	s10 =	sld [smem:$0x3FBA];
	_ =	sdelay $0x3  }
0x37: {  	[smem:$0x3FBA] =	sst s10  }
0x38: {  	s10 =	sld [smem:$0x3FBB]  }
0x39: {  	_ = 	snop;
	(pc) =	sbr.ind lr, $3  }
0x3a: {  	_ = 	snop  }
0x3b: {  	_ = 	snop  }
0x3c: {  	p2 =	seq.s32 s10, $0x1;
	s10 =	sld [smem:$0x3FBA]  }
0x3d: {  	_ =	shalt  }
0x3e: {  	_ =	shalt  }
0x3f: {  	_ =	shalt  }
0x40: {  	_ =	shalt  }
0x41: {  	_ =	shalt  }
0x42: {  	_ =	shalt  }
0x43: {  	_ =	shalt  }
0x44: {  	_ =	shalt  }
0x45: {  	_ =	shalt  }
0x46: {  	_ =	shalt  }
0x47: {  	_ =	shalt  }
0x48: {  	_ =	shalt  }
0x49: {  	_ =	shalt  }
0x4a: {  	_ =	shalt  }
0x4b: {  	_ =	shalt  }
0x4c: {  	_ =	shalt  }
0x4d: {  	_ =	shalt  }
0x4e: {  	_ =	shalt  }
0x4f: {  	_ =	shalt  }
0x50: {  	_ =	shalt  }
0x51: {  	_ =	shalt  }
0x52: {  	_ =	shalt  }
0x53: {  	_ =	shalt  }
0x54: {  	_ =	shalt  }
0x55: {  	_ =	shalt  }
0x56: {  	_ =	shalt  }
0x57: {  	_ =	shalt  }
0x58: {  	_ =	shalt  }
0x59: {  	_ =	shalt  }
0x5a: {  	_ =	shalt  }
0x5b: {  	_ =	shalt  }
0x5c: {  	_ =	shalt  }
0x5d: {  	_ =	shalt  }
0x5e: {  	_ =	shalt  }
0x5f: {  	_ =	shalt  }
0x60: {  	_ =	shalt  }
0x61: {  	_ =	shalt  }
0x62: {  	_ =	shalt  }
0x63: {  	_ =	shalt  }
0x64: {  	_ =	shalt  }
0x65: {  	_ =	shalt  }
0x66: {  	_ =	shalt  }
0x67: {  	_ =	shalt  }
0x68: {  	_ =	shalt  }
0x69: {  	_ =	shalt  }
0x6a: {  	_ =	shalt  }
0x6b: {  	_ =	shalt  }
0x6c: {  	_ =	shalt  }
0x6d: {  	_ =	shalt  }
0x6e: {  	_ =	shalt  }
0x6f: {  	_ =	shalt  }
0x70: {  	_ =	shalt  }
0x71: {  	_ =	shalt  }
0x72: {  	_ =	shalt  }
0x73: {  	_ =	shalt  }
0x74: {  	_ =	shalt  }
0x75: {  	_ =	shalt  }
0x76: {  	_ =	shalt  }
0x77: {  	_ =	shalt  }
0x78: {  	_ =	shalt  }
0x79: {  	_ =	shalt  }
0x7a: {  	_ =	shalt  }
0x7b: {  	_ =	shalt  }
0x7c: {  	_ =	shalt  }
0x7d: {  	_ =	shalt  }
0x7e: {  	_ =	shalt  }
0x7f: {  	_ =	shalt  }
0x80: {  	_ =	shalt  }
0x81: {  	_ =	shalt  }
0x82: {  	_ =	shalt  }
0x83: {  	_ =	shalt  }
0x84: {  	_ =	shalt  }
0x85: {  	_ =	shalt  }
0x86: {  	_ =	shalt  }
0x87: {  	_ =	shalt  }
.Lfunc_end0:
.L_simem_size_0:
called_computation_lowered:
.L_overlay_start_0:
0x88: {  	s2 =	sld [smem:$0x3FD9]  }
0x89: {  	s3 =	sld [smem:$0x3FFE];
	_ =	sdelay $0x1  }
0x8a: {  	s1 =	srdreg.scid  }
0x8b: {  	s0 =	sand.u32 $0x1, s1  }
0x8c: {  	s17 =	sshll.u32 s0, $0xA;
	s2 =	sadd.s32 s3, s2  }
0x8d: {  	s2 =	sadd.s32 s2, s17  }
0x8e: {  	[smem:$0x3FC6] =	sst s2  }
0x8f: {  	_ = 	snop  }
0x90: {  	s2 =	sld [smem:$0x3FC8]  }
0x91: {  	s18 =	sld [smem:$0x3FD0];
	(tm) =	ssettm $0x1  }
0x92: {  	s4 =	sld [smem:$0x3FFB];
	_ =	sdelay $0x3  }
0x93: {  	_ =	strace s4  }
0x94: {  	s4 =	sld [smem:$0x3FFC];
	_ =	sdelay $0x3  }
0x95: {  	_ =	strace s4  }
0x96: {  	s4 =	sld [smem:$0x3FFD];
	_ =	sdelay $0x3  }
0x97: {  	_ =	strace s4  }
0x98: {  	_ =	strace $0x8FFFFFFF  }
0x99: {  	s19 =	sld [smem:$0x3FDB];
	_ =	sdelay $0x1  }
0x9a: {  	s5 =	simm.s32 $_scs_section_size  }
0x9b: {  	s6 =	simm.s32 $_size__tile_overlayer_lowered;
	s7 =	simm.s32 $_tile_overlayer_lowered  }
0x9c: {  	s22 =	simm.s32 $0x1BFF;
	s21 =	sshll.u32 s7, $0x1;
	s4 =	sadd.s32 s5, s19  }
0x9d: {  	s8 =	simm.s32 $0x0;
	s20 =	sshll.u32 s6, $0x1;
	s6 =	sadd.s32 s21, s4  }
0x9e: {  	[timem:s8], [sflag:s22] =	dma.local [hbm:s6], s20  }
0x9f: {  	_ =	swait.ge [sflag:s22], s20  }
0xa0: {  	s5 =	ssub.s32 $0x0, s20;
	[sflag:s22] =	ssyncset.done $0x0  }
0xa1: {  	[sflag:s22] =	ssyncadd.s32 s5;
	_ =	sdelay $0x1  }
0xa2: {  	s23 =	simm.s32 $0x1B8B  }
0xa3: {  	_ =	swait.ge [sflag:s23], $0x1  }
0xa4: {  	[sflag:s23] =	ssyncset.done $0x0  }
0xa5: {  	s25 =	simm.s32 $0x1B8E;
	s24 =	sld [smem:$0x3FFE];
	[sflag:s23] =	ssyncadd.s32 $0xFFFFFFFF  }
0xa6: {  	s26 =	simm.s32 $execute0_lowered;
	[smem:$0x3FD2] =	sst s25  }
0xa7: {  	s6 =	sshll.u32 s26, $0x1;
	_ =	strace $0x80000046;
	[dreg:$0x1] =	wrdreg $0xFFFFFFFF  }
0xa8: {  	s28 =	simm.s32 $_size_execute0_lowered;
	s4 =	sadd.s32 s4, s6;
	[dreg:$0x0] =	wrdreg $0x0  }
0xa9: {  	s6 =	sshll.u32 s28, $0x1;
	[dreg:$0x2] =	wrdreg s4  }
0xaa: {  	[dreg:$0x3] =	wrdreg s6  }
0xab: {  	[dreg:$0x4] =	wrdreg $0xC0  }
0xac: {  	_ =	task [dreg:s8], $0x5FFFF  }
0xad: {  	[dreg:$0x1] =	wrdreg $0xFFFFFFFF  }
0xae: {  	[dreg:$0x0] =	wrdreg $0x60  }
0xaf: {  	[dreg:$0x2] =	wrdreg s24  }
0xb0: {  	[dreg:$0x3] =	wrdreg s2  }
0xb1: {  	[dreg:$0x4] =	wrdreg s18  }
0xb2: {  	[dreg:$0x5] =	wrdreg $0x0  }
0xb3: {  	[dreg:$0x6] =	wrdreg $0x9  }
0xb4: {  	_ =	task.clear_ibuf [dreg:s8], $0x7FFFF;
	_ =	strace $0x90000046  }
0xb5: {  	s29 =	simm.s32 $0x9;
	_ =	strace $0x80000048  }
0xb6: {  	_ =	swait.ge [sflag:s29], $0x1  }
0xb7: {  	[sflag:s29] =	ssyncadd.s32 $0xFFFFFFFF  }
0xb8: {  	_ =	strace $0x90000048  }
0xb9: {  	_ =	sfence  }
0xba: {  	s30 =	sld [smem:$0x0];
	_ =	sdelay $0x2  }
0xbb: {  	s31 =	sshll.u32 s1, $0xD;
	s1 =	sshrl.u32 s1, $0x2  }
0xbc: {  	s3 =	sand.u32 $0x4000, s31;
	s1 =	sadd.s32 s1, s30  }
0xbd: {  	s0 =	sor.u32 s3, s0;
	s1 =	sshll.u32 s1, $0x11  }
0xbe: {  	s0 =	sor.u32 s1, s0  }
0xbf: {  	s0 =	sadd.s32 $0x8F2B, s0  }
0xc0: {  	[sflag:s0] =	ssyncadd.remote.s32 $0x1  }
0xc1: {  	_ =	sfence.sel $0xFFFF  }
0xc2: {  	[dreg:$0x0] =	wrdreg $0xFFFFFFFF;
	(pc) =	sbr.abs _section_cstart, $3  }
0xc3: {  	[dreg:$0x1] =	wrdreg $0xFFFFFFFF  }
0xc4: {  	_ =	task.clear_ibuf [dreg:s8], $0x2FFFF;
	_ =	strace $0x9FFFFFFF  }
0xc5: {  	(tm) =	ssettm $0x7FFFFFFF  }
tec
execute0_lowered:
.L_overlay_start_1:
0x0: {  	(tag) =	ssettag $0x1  }
0x1: {  	s6 =	rddreg [dreg:$0x0]  }
0x2: {  	s0 =	rddreg [dreg:$0x1]  }
0x3: {  	s1 =	srdreg.scid;
	s24 =	stileid.u32  }
0x4: {  	s3 =	rddreg [dreg:$0x3];
	s2 =	simm.s32 $0x0;
	s30 =	simm.s32 $0xA28  }
0x5: {  	s29 =	simm.s32 $0xE28;
	p2 =	por $0x0, $0x0;
	[dreg:$0x5] =	wrdreg s0  }
0x6: {  	s31 =	simm.s32 $0x8;
	s0 =	rddreg [dreg:$0x2];
	s5 =	sand.u32 $0x1, s1  }
0x7: {  	s13 =	sshll.u32 s24, $0x1;
	s4 =	sshll.u32 s24, $0x9;
	[smem:$0x7FF] =	sst s2  }
0x8: {  	s6 =	sadd.s32 $0x400, s6;
	p0 =	sgt.u32 s24, $0x9;
	s1 =	sor.u32 s5, s13  }
0x9: {  	s8 =	sand.u32 $0x1800, s4;
	s7 =	sshll.u32 s1, $0x7;
	s4 =	sor.u32 $0x20, s1  }
0xa: {  	_ =	strace $0x80000047;
	s7 =	sand.u32 $0x380, s7;
	s9 =	sshll.u32 s4, $0x8  }
0xb: {  	s5 =	ssub.s32 $0x2, s5;
	s8 =	sor.u32 s8, s7;
	s9 =	sand.u32 $0x3800, s9  }
0xc: {  	p1 =	sne.s32 @!p0 s24, $0x0;
	s8 =	sshrl.u32 s8, $0x3;
	s9 =	sor.u32 s7, s9  }
0xd: {  	p1 =	por p1, p0;
	s8 =	sadd.s32 s6, s8;
	s9 =	sshrl.u32 s9, $0x3  }
0xe: {  	[dreg:$0x6] =	wrdreg s8;
	s8 =	sor.u32 $0x40, s1;
	s10 =	sadd.s32 s6, s9  }
0xf: {  	s9 =	sor.u32 $0x60, s1;
	s11 =	sshll.u32 s8, $0x8;
	[dreg:$0x7] =	wrdreg s10  }
0x10: {  	s15 =	sshll.u32 s9, $0x8;
	s10 =	sor.u32 $0x80, s1;
	s14 =	sand.u32 $0x5800, s11  }
0x11: {  	s11 =	sand.u32 $0x7800, s15;
	s13 =	sshll.u32 s10, $0x8;
	s12 =	sor.u32 s7, s14  }
0x12: {  	s11 =	sor.u32 s7, s11;
	s13 =	sand.u32 $0x9800, s13;
	s12 =	sshrl.u32 s12, $0x3  }
0x13: {  	s11 =	sshrl.u32 s11, $0x3;
	s16 =	sor.u32 s7, s13;
	s12 =	sadd.s32 s6, s12  }
0x14: {  	s13 =	sor.u32 $0xE0, s1;
	s11 =	sadd.s32 s6, s11;
	[dreg:$0x8] =	wrdreg s12  }
0x15: {  	[dreg:$0x9] =	wrdreg s11;
	s12 =	sshrl.u32 s16, $0x3;
	s11 =	sor.u32 $0xA0, s1  }
0x16: {  	s17 =	sadd.s32 s6, s12;
	s14 =	sshll.u32 s11, $0x8;
	s12 =	sor.u32 $0xC0, s1  }
0x17: {  	s16 =	sshll.u32 s13, $0x8;
	s18 =	sand.u32 $0xB800, s14;
	s19 =	sshll.u32 s12, $0x8  }
0x18: {  	s16 =	sand.u32 $0xF800, s16;
	s15 =	sor.u32 s7, s18;
	s14 =	sand.u32 $0xD800, s19  }
0x19: {  	[dreg:$0xa] =	wrdreg s17;
	s15 =	sshrl.u32 s15, $0x3;
	s14 =	sor.u32 s7, s14  }
0x1a: {  	s20 =	sor.u32 s7, s16;
	s15 =	sadd.s32 s6, s15;
	s14 =	sshrl.u32 s14, $0x3  }
0x1b: {  	s16 =	sor.u32 $0x140, s1;
	[dreg:$0xb] =	wrdreg s15;
	s14 =	sadd.s32 s6, s14  }
0x1c: {  	s15 =	sshrl.u32 s20, $0x3;
	[dreg:$0xc] =	wrdreg s14;
	s14 =	sor.u32 $0x100, s1  }
0x1d: {  	s21 =	sadd.s32 s6, s15;
	s15 =	sor.u32 $0x120, s1;
	s17 =	sshll.u32 s14, $0x8  }
0x1e: {  	s19 =	sshll.u32 s16, $0x8;
	s23 =	sshll.u32 s15, $0x8;
	s22 =	sand.u32 $0x11800, s17  }
0x1f: {  	s19 =	sand.u32 $0x15800, s19;
	s17 =	sand.u32 $0x13800, s23;
	s18 =	sor.u32 s7, s22  }
0x20: {  	s25 =	sor.u32 s7, s19;
	s17 =	sor.u32 s7, s17;
	s18 =	sshrl.u32 s18, $0x3  }
0x21: {  	[dreg:$0xd] =	wrdreg s21;
	s17 =	sshrl.u32 s17, $0x3;
	s18 =	sadd.s32 s6, s18  }
0x22: {  	s19 =	sor.u32 $0x1A0, s1;
	s17 =	sadd.s32 s6, s17;
	[dreg:$0xe] =	wrdreg s18  }
0x23: {  	[dreg:$0xf] =	wrdreg s17;
	s18 =	sshrl.u32 s25, $0x3;
	s17 =	sor.u32 $0x160, s1  }
0x24: {  	s26 =	sadd.s32 s6, s18;
	s20 =	sshll.u32 s17, $0x8;
	s18 =	sor.u32 $0x180, s1  }
0x25: {  	[dreg:$0x10] =	wrdreg s26;
	s21 =	sand.u32 $0x17800, s20;
	s22 =	sshll.u32 s18, $0x8  }
0x26: {  	s21 =	sor.u32 s7, s21;
	s20 =	sand.u32 $0x19800, s22;
	s22 =	sshll.u32 s19, $0x8  }
0x27: {  	s21 =	sshrl.u32 s21, $0x3;
	s20 =	sor.u32 s7, s20;
	s22 =	sand.u32 $0x1B800, s22  }
0x28: {  	s21 =	sadd.s32 s6, s21;
	s20 =	sshrl.u32 s20, $0x3;
	s23 =	sor.u32 s7, s22  }
0x29: {  	[dreg:$0x11] =	wrdreg s21;
	s20 =	sadd.s32 s6, s20;
	s25 =	sshrl.u32 s23, $0x3  }
0x2a: {  	s21 =	sor.u32 $0x1C0, s1;
	s23 =	sor.u32 $0x1E0, s1;
	s1 =	smul.u32 $0xC80, s1  }
0x2b: {  	[dreg:$0x12] =	wrdreg s20;
	s20 =	sadd.s32 s6, s25;
	s26 =	sshll.u32 s21, $0x8  }
0x2c: {  	s4 =	smul.u32 $0xC80, s4;
	[dreg:$0x13] =	wrdreg s20;
	s25 =	sand.u32 $0x1D800, s26  }
0x2d: {  	s26 =	sshll.u32 s23, $0x8;
	s1 =	sadd.s32 s0, s1;
	s23 =	smul.u32 $0xC80, s23  }
0x2e: {  	s20 =	sor.u32 s7, s25;
	s22 =	sand.u32 $0x1F800, s26;
	s26 =	smul.u32 $0xC80, s9  }
0x2f: {  	[dreg:$0x16] =	wrdreg s1;
	s25 =	sadd.s32 s0, s4;
	s20 =	sshrl.u32 s20, $0x3  }
0x30: {  	s20 =	sadd.s32 s6, s20;
	s9 =	sadd.s32 s0, s26;
	s26 =	smul.u32 $0xC80, s13  }
0x31: {  	s7 =	sor.u32 s7, s22;
	[dreg:$0x14] =	wrdreg s20;
	s20 =	smul.u32 $0xC80, s8  }
0x32: {  	s22 =	sshrl.u32 s5, $0x1;
	[dreg:$0x17] =	wrdreg s25;
	s8 =	smul.u32 $0xC80, s10  }
0x33: {  	s7 =	sshrl.u32 s7, $0x3;
	s5 =	ssub.s32 s5, s22;
	s10 =	smul.u32 $0xC80, s11  }
0x34: {  	s6 =	sadd.s32 s6, s7;
	s7 =	sadd.s32 s0, s20;
	s20 =	smul.u32 $0xC80, s12  }
0x35: {  	[dreg:$0x19] =	wrdreg s9;
	s11 =	sadd.s32 s0, s8;
	s8 =	smul.u32 $0xC80, s14  }
0x36: {  	[dreg:$0x15] =	wrdreg s6;
	s25 =	sadd.s32 s0, s10;
	s10 =	smul.u32 $0xC80, s15  }
0x37: {  	s9 =	sadd.s32 s0, s26;
	s6 =	sadd.s32 $0x80, s3;
	s12 =	smul.u32 $0xC80, s16  }
0x38: {  	s26 =	smax.u32 s5, $0x1;
	[dreg:$0x1d] =	wrdreg s9;
	s14 =	smul.u32 $0xC80, s17  }
0x39: {  	s5 =	simm.s32 $0x7;
	s16 =	smul.u32 $0xC80, s18;
	[dreg:$0x18] =	wrdreg s7  }
0x3a: {  	s18 =	smul.u32 $0xC80, s19;
	s1 =	sadd.s32 $0xFFFFFFFF, s26;
	[dreg:$0x1a] =	wrdreg s11  }
0x3b: {  	s9 =	simm.s32 $0x1128;
	[dreg:$0x1b] =	wrdreg s25;
	s7 =	sadd.s32 s0, s20  }
0x3c: {  	p3 =	sne.s32 s1, $0x0;
	s11 =	sadd.s32 s0, s8;
	[dreg:$0x1c] =	wrdreg s7  }
0x3d: {  	s13 =	sadd.s32 s0, s10;
	s15 =	sadd.s32 s0, s12;
	[dreg:$0x1e] =	wrdreg s11  }
0x3e: {  	s17 =	sadd.s32 s0, s14;
	s19 =	sadd.s32 s0, s16;
	[dreg:$0x1f] =	wrdreg s13  }
0x3f: {  	s20 =	smul.u32 $0xC80, s21;
	s21 =	sadd.s32 s0, s18;
	[smem:$0x7F7] =	sst s15  }
0x40: {  	s16 =	simm.s32 $0x400;
	s14 =	simm.s32 $0xC8;
	[smem:$0x7F8] =	sst s17  }
0x41: {  	s8 =	simm.s32 $0x7528;
	s12 =	simm.s32 $0x2;
	[smem:$0x7F9] =	sst s19  }
0x42: {  	s10 =	simm.s32 $0x4;
	[smem:$0x7FA] =	sst s21;
	s13 =	simm.s32 $0x80  }
0x43: {  	s21 =	simm.s32 $0xC28;
	s19 =	simm.s32 $0xD28;
	s7 =	simm.s32 $0xD928  }
.Ltmp0:
0x44: {  	s15 =	simm.s32 $0x13D28;
	s25 =	sadd.s32 s0, s20;
	(pc) =	sbr.rel @!p3 .LBB2_1-.Ltmp0, $4  }
0x45: {  	s11 =	simm.s32 $0x3;
	s0 =	sadd.s32 s0, s23;
	[smem:$0x7FB] =	sst s25  }
0x46: {  	s17 =	simm.s32 $0x5;
	[smem:$0x7FC] =	sst s0;
	s0 =	sshrl.u32 @!p1 s6, $0x3  }
0x47: {  	s20 =	simm.s32 $0xB28;
	s25 =	simm.s32 $0x728;
	[smem:$0x7FD] =	sst s0  }
0x48: {  	s6 =	simm.s32 $0x6;
	s0 =	simm.s32 $0x1;
	s28 =	sld [smem:$0x7FD]  }
0x49: {  	[smem:$0x7F6] =	sst s1  }
0x4a: {  	s22 =	rddreg [dreg:$0x6]  }
0x4b: {  	s20 =	rddreg [dreg:$0x5]  }
0x4c: {  	s18 =	rddreg [dreg:$0x7];
	s24 =	simm.s32 $0x128  }
0x4d: {  	[tilespmem:s24], [sflag:$0x1] =	stream.strided.gather [hbm4b:s22+s13], $0x100, s16, s13, $0x38;
	[tilespmem:$0x1A128] =	vst v63  }
0x4e: {  	s23 =	rddreg [dreg:$0x8];
	s26 =	simm.s32 $0x228  }
0x4f: {  	[tilespmem:s26], [sflag:$0x1] =	stream.strided.gather [hbm4b:s18+s13], $0x100, s16, s13, $0x38;
	[tilespmem:$0x1A128] =	vst v63  }
0x50: {  	s7 =	rddreg [dreg:$0x9];
	s15 =	simm.s32 $0x328  }
0x51: {  	[tilespmem:s15], [sflag:$0x1] =	stream.strided.gather [hbm4b:s23+s13], $0x100, s16, s13, $0x38;
	[tilespmem:$0x1A128] =	vst v63  }
0x52: {  	s1 =	rddreg [dreg:$0xc];
	s23 =	simm.s32 $0x428  }
0x53: {  	[tilespmem:s23], [sflag:$0x1] =	stream.strided.gather [hbm4b:s7+s13], $0x100, s16, s13, $0x38;
	[tilespmem:$0x1A128] =	vst v63  }
0x54: {  	s22 =	rddreg [dreg:$0xa];
	s7 =	simm.s32 $0x528  }
0x55: {  	[tilespmem:s7], [sflag:$0x1] =	stream.strided.gather [hbm4b:s22+s13], $0x100, s16, s13, $0x38;
	[tilespmem:$0x1A128] =	vst v63  }
0x56: {  	s18 =	rddreg [dreg:$0xb];
	s22 =	simm.s32 $0x628  }
0x57: {  	[tilespmem:s22], [sflag:$0x1] =	stream.strided.gather [hbm4b:s18+s13], $0x100, s16, s13, $0x38;
	[tilespmem:$0x1A128] =	vst v63  }
0x58: {  	s7 =	rddreg [dreg:$0xd]  }
0x59: {  	[tilespmem:s25], [sflag:$0x1] =	stream.strided.gather [hbm4b:s1+s13], $0x100, s16, s13, $0x38;
	[tilespmem:$0x1A128] =	vst v63  }
0x5a: {  	s22 =	simm.s32 $0x828;
	s18 =	rddreg [dreg:$0xf]  }
0x5b: {  	[tilespmem:s22], [sflag:$0x1] =	stream.strided.gather [hbm4b:s7+s13], $0x100, s16, s13, $0x38;
	[tilespmem:$0x1A128] =	vst v63  }
0x5c: {  	s1 =	rddreg [dreg:$0xe];
	s22 =	simm.s32 $0x928  }
0x5d: {  	[tilespmem:s22], [sflag:$0x1] =	stream.strided.gather [hbm4b:s1+s13], $0x100, s16, s13, $0x38;
	[tilespmem:$0x1A128] =	vst v63  }
0x5e: {  	s7 =	rddreg [dreg:$0x10]  }
0x5f: {  	[tilespmem:s30], [sflag:$0x1] =	stream.strided.gather [hbm4b:s18+s13], $0x100, s16, s13, $0x38;
	[tilespmem:$0x1A128] =	vst v63  }
0x60: {  	s4 =	simm.s32 $0xB28;
	s22 =	rddreg [dreg:$0x11]  }
0x61: {  	[tilespmem:s4], [sflag:$0x1] =	stream.strided.gather [hbm4b:s7+s13], $0x100, s16, s13, $0x38;
	[tilespmem:$0x1A128] =	vst v63  }
0x62: {  	s7 =	rddreg [dreg:$0x12]  }
0x63: {  	[tilespmem:s21], [sflag:$0x1] =	stream.strided.gather [hbm4b:s22+s13], $0x100, s16, s13, $0x38;
	[tilespmem:$0x1A128] =	vst v63  }
0x64: {  	s4 =	rddreg [dreg:$0x14]  }
0x65: {  	[tilespmem:s19], [sflag:$0x1] =	stream.strided.gather [hbm4b:s7+s13], $0x100, s16, s13, $0x38;
	[tilespmem:$0x1A128] =	vst v63  }
0x66: {  	s31 =	simm.s32 @!p1 $0xA;
	s22 =	rddreg [dreg:$0x13]  }
0x67: {  	[tilespmem:s29], [sflag:$0x1] =	stream.strided.gather [hbm4b:s22+s13], $0x100, s16, s13, $0x38;
	[tilespmem:$0x1A128] =	vst v63  }
0x68: {  	s1 =	simm.s32 @!p0 $0x80;
	s21 =	rddreg [dreg:$0x15];
	s22 =	simm.s32 $0xF28  }
0x69: {  	[tilespmem:s22], [sflag:$0x1] =	stream.strided.gather [hbm4b:s4+s13], $0x100, s16, s13, $0x38;
	[tilespmem:$0x1A128] =	vst v63  }
0x6a: {  	s7 =	simm.s32 @!p1 $0x1C0A;
	s22 =	simm.s32 @!p0 $0x400;
	s4 =	simm.s32 @!p0 $0x1028  }
0x6b: {  	[tilespmem:s4], [sflag:$0x1] =	stream.strided.gather @!p0 [hbm4b:s21+s1], $0x100, s22, s1, $0x38;
	[tilespmem:$0x1A128] =	vst v63  }
0x6c: {  	[spmem:s28], [sflag:s7] =	dma.local @!p1 [hbm:s20], $0x240  }
0x6d: {  	_ =	swait.ge @!p1 [sflag:s31], $0x240  }
0x6e: {  	[sflag:s31] =	ssyncset.done @!p1 $0x0  }
0x6f: {  	[sflag:s31] =	ssyncadd.s32 @!p1 $0xFFFFFDC0  }
0x70: {  	[bflag:$0x0] =	sbarrier.arrive $0xFFFF  }
0x71: {  	_ =	swait.ge [sflag:s0], $0x100  }
0x72: {  	[sflag:s0] =	ssyncset.done $0x0  }
0x73: {  	[sflag:s0] =	ssyncadd.s32 $0xFFFFFF00  }
0x74: {  	_ =	swait.ge [sflag:s0], $0x100  }
0x75: {  	[sflag:s0] =	ssyncset.done $0x0  }
0x76: {  	[sflag:s0] =	ssyncadd.s32 $0xFFFFFF00  }
0x77: {  	_ =	swait.ge [sflag:s0], $0x100  }
0x78: {  	[sflag:s0] =	ssyncset.done $0x0  }
0x79: {  	[sflag:s0] =	ssyncadd.s32 $0xFFFFFF00  }
0x7a: {  	_ =	swait.ge [sflag:s0], $0x100  }
0x7b: {  	[sflag:s0] =	ssyncset.done $0x0  }
0x7c: {  	[sflag:s0] =	ssyncadd.s32 $0xFFFFFF00  }
0x7d: {  	_ =	swait.ge [sflag:s0], $0x100  }
0x7e: {  	[sflag:s0] =	ssyncset.done $0x0  }
0x7f: {  	[sflag:s0] =	ssyncadd.s32 $0xFFFFFF00  }
0x80: {  	_ =	swait.ge [sflag:s0], $0x100  }
0x81: {  	[sflag:s0] =	ssyncset.done $0x0  }
0x82: {  	[sflag:s0] =	ssyncadd.s32 $0xFFFFFF00  }
0x83: {  	_ =	swait.ge [sflag:s0], $0x100  }
0x84: {  	[sflag:s0] =	ssyncset.done $0x0  }
0x85: {  	[sflag:s0] =	ssyncadd.s32 $0xFFFFFF00  }
0x86: {  	_ =	swait.ge [sflag:s0], $0x100  }
0x87: {  	[sflag:s0] =	ssyncset.done $0x0  }
0x88: {  	[sflag:s0] =	ssyncadd.s32 $0xFFFFFF00  }
0x89: {  	_ =	swait.ge [sflag:s0], $0x100  }
0x8a: {  	[sflag:s0] =	ssyncset.done $0x0  }
0x8b: {  	[sflag:s0] =	ssyncadd.s32 $0xFFFFFF00  }
0x8c: {  	_ =	swait.ge [sflag:s0], $0x100  }
0x8d: {  	[sflag:s0] =	ssyncset.done $0x0  }
0x8e: {  	[sflag:s0] =	ssyncadd.s32 $0xFFFFFF00  }
0x8f: {  	_ =	swait.ge [sflag:s0], $0x100  }
0x90: {  	[sflag:s0] =	ssyncset.done $0x0  }
0x91: {  	[sflag:s0] =	ssyncadd.s32 $0xFFFFFF00  }
0x92: {  	_ =	swait.ge [sflag:s0], $0x100  }
0x93: {  	[sflag:s0] =	ssyncset.done $0x0  }
0x94: {  	[sflag:s0] =	ssyncadd.s32 $0xFFFFFF00  }
0x95: {  	_ =	swait.ge [sflag:s0], $0x100  }
0x96: {  	[sflag:s0] =	ssyncset.done $0x0  }
0x97: {  	[sflag:s0] =	ssyncadd.s32 $0xFFFFFF00  }
0x98: {  	_ =	swait.ge [sflag:s0], $0x100  }
0x99: {  	[sflag:s0] =	ssyncset.done $0x0  }
0x9a: {  	[sflag:s0] =	ssyncadd.s32 $0xFFFFFF00  }
0x9b: {  	_ =	swait.ge [sflag:s0], $0x100  }
0x9c: {  	[sflag:s0] =	ssyncset.done $0x0  }
0x9d: {  	s1 =	simm.s32 @!p0 $0x1;
	[sflag:s0] =	ssyncadd.s32 $0xFFFFFF00  }
0x9e: {  	_ =	swait.ge @!p0 [sflag:s1], $0x100  }
0x9f: {  	[sflag:s1] =	ssyncset.done @!p0 $0x0  }
0xa0: {  	s17 =	simm.s32 $0x1128;
	[sflag:s1] =	ssyncadd.s32 @!p0 $0xFFFFFF00  }
0xa1: {  	[tilespmem:s17], [sflag:$0x2] =	stream.indirect.gather [spmem:s3], $0x80, s24, s14, $0xb8;
	[tilespmem:$0x1A128] =	vst v63  }
0xa2: {  	s9 =	simm.s32 $0x7528  }
0xa3: {  	[tilespmem:s9], [sflag:$0x3] =	stream.indirect.gather [spmem:s3], $0x80, s26, s14, $0xb8;
	[tilespmem:$0x1A128] =	vst v63  }
0xa4: {  	s8 =	simm.s32 $0xD928  }
0xa5: {  	[tilespmem:s8], [sflag:$0x4] =	stream.indirect.gather [spmem:s3], $0x80, s15, s14, $0xb8;
	[tilespmem:$0x1A128] =	vst v63  }
0xa6: {  	s15 =	simm.s32 $0x13D28  }
0xa7: {  	[tilespmem:s15], [sflag:$0x5] =	stream.indirect.gather [spmem:s3], $0x80, s23, s14, $0xb8;
	[tilespmem:$0x1A128] =	vst v63  }
0xa8: {  	_ =	swait.ge [sflag:s12], $0x6400  }
0xa9: {  	[sflag:s12] =	ssyncset.done $0x0  }
0xaa: {  	s9 =	simm.s32 $0x1128;
	s20 =	rddreg [dreg:$0x16];
	[sflag:s12] =	ssyncadd.s32 $0xFFFF9C00  }
0xab: {  	[hbm4b:s20+s2] =	stream.linear.scatter [tilespmem:s9], [sflag:$0x6], $0x6400, $0x38;
	[tilespmem:$0x1A128] =	vst v63  }
0xac: {  	_ =	swait.ge [sflag:s6], $0x6400  }
0xad: {  	[sflag:s6] =	ssyncset.done $0x0  }
0xae: {  	s21 =	simm.s32 $0x528;
	[sflag:s6] =	ssyncadd.s32 $0xFFFF9C00  }
0xaf: {  	[tilespmem:s9], [sflag:$0x2] =	stream.indirect.gather [spmem:s3], $0x80, s21, s14, $0xb8;
	[tilespmem:$0x1A128] =	vst v63  }
0xb0: {  	_ =	swait.ge [sflag:s11], $0x6400  }
0xb1: {  	[sflag:s11] =	ssyncset.done $0x0  }
0xb2: {  	s8 =	simm.s32 $0x7528;
	s22 =	rddreg [dreg:$0x17];
	[sflag:s11] =	ssyncadd.s32 $0xFFFF9C00  }
0xb3: {  	[hbm4b:s22+s2] =	stream.linear.scatter [tilespmem:s8], [sflag:$0x7], $0x6400, $0x38;
	[tilespmem:$0x1A128] =	vst v63  }
0xb4: {  	_ =	swait.ge [sflag:s5], $0x6400  }
0xb5: {  	[sflag:s5] =	ssyncset.done $0x0  }
0xb6: {  	s23 =	simm.s32 $0x628;
	[sflag:s5] =	ssyncadd.s32 $0xFFFF9C00  }
0xb7: {  	[tilespmem:s8], [sflag:$0x3] =	stream.indirect.gather [spmem:s3], $0x80, s23, s14, $0xb8;
	[tilespmem:$0x1A128] =	vst v63  }
0xb8: {  	_ =	swait.ge [sflag:s10], $0x6400  }
0xb9: {  	s7 =	simm.s32 $0xD928;
	[sflag:s10] =	ssyncset.done $0x0  }
0xba: {  	s31 =	simm.s32 $0x8;
	s24 =	rddreg [dreg:$0x18];
	[sflag:s10] =	ssyncadd.s32 $0xFFFF9C00  }
0xbb: {  	[hbm4b:s24+s2] =	stream.linear.scatter [tilespmem:s7], [sflag:$0x8], $0x6400, $0x38;
	[tilespmem:$0x1A128] =	vst v63  }
0xbc: {  	_ =	swait.ge [sflag:s31], $0x6400  }
0xbd: {  	[sflag:s31] =	ssyncset.done $0x0  }
0xbe: {  	s17 =	simm.s32 $0x5;
	[sflag:s31] =	ssyncadd.s32 $0xFFFF9C00  }
0xbf: {  	[tilespmem:s7], [sflag:$0x4] =	stream.indirect.gather [spmem:s3], $0x80, s25, s14, $0xb8;
	[tilespmem:$0x1A128] =	vst v63  }
0xc0: {  	_ =	swait.ge [sflag:s17], $0x6400  }
0xc1: {  	[sflag:s17] =	ssyncset.done $0x0  }
0xc2: {  	s18 =	simm.s32 $0x9;
	s25 =	rddreg [dreg:$0x19];
	[sflag:s17] =	ssyncadd.s32 $0xFFFF9C00  }
0xc3: {  	[hbm4b:s25+s2] =	stream.linear.scatter [tilespmem:s15], [sflag:$0x9], $0x6400, $0x38;
	[tilespmem:$0x1A128] =	vst v63  }
0xc4: {  	_ =	swait.ge [sflag:s18], $0x6400  }
0xc5: {  	[sflag:s18] =	ssyncset.done $0x0  }
0xc6: {  	s26 =	simm.s32 $0x828;
	[sflag:s18] =	ssyncadd.s32 $0xFFFF9C00  }
0xc7: {  	[tilespmem:s15], [sflag:$0x5] =	stream.indirect.gather [spmem:s3], $0x80, s26, s14, $0xb8;
	[tilespmem:$0x1A128] =	vst v63  }
0xc8: {  	_ =	swait.ge [sflag:s12], $0x6400  }
0xc9: {  	[sflag:s12] =	ssyncset.done $0x0  }
0xca: {  	s20 =	rddreg [dreg:$0x1a];
	[sflag:s12] =	ssyncadd.s32 $0xFFFF9C00  }
0xcb: {  	[hbm4b:s20+s2] =	stream.linear.scatter [tilespmem:s9], [sflag:$0x6], $0x6400, $0x38;
	[tilespmem:$0x1A128] =	vst v63  }
0xcc: {  	_ =	swait.ge [sflag:s6], $0x6400  }
0xcd: {  	[sflag:s6] =	ssyncset.done $0x0  }
0xce: {  	s21 =	simm.s32 $0x928;
	[sflag:s6] =	ssyncadd.s32 $0xFFFF9C00  }
0xcf: {  	[tilespmem:s9], [sflag:$0x2] =	stream.indirect.gather [spmem:s3], $0x80, s21, s14, $0xb8;
	[tilespmem:$0x1A128] =	vst v63  }
0xd0: {  	_ =	swait.ge [sflag:s11], $0x6400  }
0xd1: {  	[sflag:s11] =	ssyncset.done $0x0  }
0xd2: {  	s22 =	rddreg [dreg:$0x1b];
	[sflag:s11] =	ssyncadd.s32 $0xFFFF9C00  }
0xd3: {  	[hbm4b:s22+s2] =	stream.linear.scatter [tilespmem:s8], [sflag:$0x7], $0x6400, $0x38;
	[tilespmem:$0x1A128] =	vst v63  }
0xd4: {  	_ =	swait.ge [sflag:s5], $0x6400  }
0xd5: {  	[sflag:s5] =	ssyncset.done $0x0  }
0xd6: {  	[sflag:s5] =	ssyncadd.s32 $0xFFFF9C00  }
0xd7: {  	[tilespmem:s8], [sflag:$0x3] =	stream.indirect.gather [spmem:s3], $0x80, s30, s14, $0xb8;
	[tilespmem:$0x1A128] =	vst v63  }
0xd8: {  	_ =	swait.ge [sflag:s10], $0x6400  }
0xd9: {  	[sflag:s10] =	ssyncset.done $0x0  }
0xda: {  	s23 =	rddreg [dreg:$0x1c];
	[sflag:s10] =	ssyncadd.s32 $0xFFFF9C00  }
0xdb: {  	[hbm4b:s23+s2] =	stream.linear.scatter [tilespmem:s7], [sflag:$0x8], $0x6400, $0x38;
	[tilespmem:$0x1A128] =	vst v63  }
0xdc: {  	_ =	swait.ge [sflag:s31], $0x6400  }
0xdd: {  	[sflag:s31] =	ssyncset.done $0x0  }
0xde: {  	s24 =	simm.s32 $0xB28;
	[sflag:s31] =	ssyncadd.s32 $0xFFFF9C00  }
0xdf: {  	[tilespmem:s7], [sflag:$0x4] =	stream.indirect.gather [spmem:s3], $0x80, s24, s14, $0xb8;
	[tilespmem:$0x1A128] =	vst v63  }
0xe0: {  	_ =	swait.ge [sflag:s17], $0x6400  }
0xe1: {  	[sflag:s17] =	ssyncset.done $0x0  }
0xe2: {  	s25 =	rddreg [dreg:$0x1d];
	[sflag:s17] =	ssyncadd.s32 $0xFFFF9C00  }
0xe3: {  	[hbm4b:s25+s2] =	stream.linear.scatter [tilespmem:s15], [sflag:$0x9], $0x6400, $0x38;
	[tilespmem:$0x1A128] =	vst v63  }
0xe4: {  	_ =	swait.ge [sflag:s18], $0x6400  }
0xe5: {  	[sflag:s18] =	ssyncset.done $0x0  }
0xe6: {  	s26 =	simm.s32 $0xC28;
	[sflag:s18] =	ssyncadd.s32 $0xFFFF9C00  }
0xe7: {  	[tilespmem:s15], [sflag:$0x5] =	stream.indirect.gather [spmem:s3], $0x80, s26, s14, $0xb8;
	[tilespmem:$0x1A128] =	vst v63  }
0xe8: {  	_ =	swait.ge [sflag:s12], $0x6400  }
0xe9: {  	[sflag:s12] =	ssyncset.done $0x0  }
0xea: {  	s18 =	rddreg [dreg:$0x1e];
	[sflag:s12] =	ssyncadd.s32 $0xFFFF9C00  }
0xeb: {  	[hbm4b:s18+s2] =	stream.linear.scatter [tilespmem:s9], [sflag:$0x6], $0x6400, $0x38;
	[tilespmem:$0x1A128] =	vst v63  }
0xec: {  	_ =	swait.ge [sflag:s6], $0x6400  }
0xed: {  	[sflag:s6] =	ssyncset.done $0x0  }
0xee: {  	[sflag:s6] =	ssyncadd.s32 $0xFFFF9C00  }
0xef: {  	[tilespmem:s9], [sflag:$0x2] =	stream.indirect.gather [spmem:s3], $0x80, s19, s14, $0xb8;
	[tilespmem:$0x1A128] =	vst v63  }
0xf0: {  	_ =	swait.ge [sflag:s11], $0x6400  }
0xf1: {  	[sflag:s11] =	ssyncset.done $0x0  }
0xf2: {  	s20 =	rddreg [dreg:$0x1f];
	[sflag:s11] =	ssyncadd.s32 $0xFFFF9C00  }
0xf3: {  	[hbm4b:s20+s2] =	stream.linear.scatter [tilespmem:s8], [sflag:$0x7], $0x6400, $0x38;
	[tilespmem:$0x1A128] =	vst v63  }
0xf4: {  	_ =	swait.ge [sflag:s5], $0x6400  }
0xf5: {  	[sflag:s5] =	ssyncset.done $0x0  }
0xf6: {  	[sflag:s5] =	ssyncadd.s32 $0xFFFF9C00  }
0xf7: {  	[tilespmem:s8], [sflag:$0x3] =	stream.indirect.gather [spmem:s3], $0x80, s29, s14, $0xb8;
	[tilespmem:$0x1A128] =	vst v63  }
0xf8: {  	_ =	swait.ge [sflag:s10], $0x6400  }
0xf9: {  	s21 =	sld [smem:$0x7F7]  }
0xfa: {  	[sflag:s10] =	ssyncset.done $0x0  }
0xfb: {  	[sflag:s10] =	ssyncadd.s32 $0xFFFF9C00  }
0xfc: {  	[hbm4b:s21+s2] =	stream.linear.scatter [tilespmem:s7], [sflag:$0x8], $0x6400, $0x38;
	[tilespmem:$0x1A128] =	vst v63  }
0xfd: {  	_ =	swait.ge [sflag:s31], $0x6400  }
0xfe: {  	[sflag:s31] =	ssyncset.done $0x0  }
0xff: {  	s22 =	simm.s32 $0xF28;
	[sflag:s31] =	ssyncadd.s32 $0xFFFF9C00  }
0x100: {  	[tilespmem:s7], [sflag:$0x4] =	stream.indirect.gather [spmem:s3], $0x80, s22, s14, $0xb8;
	[tilespmem:$0x1A128] =	vst v63  }
0x101: {  	_ =	swait.ge [sflag:s17], $0x6400  }
0x102: {  	s23 =	sld [smem:$0x7F8]  }
0x103: {  	[sflag:s17] =	ssyncset.done $0x0  }
0x104: {  	s21 =	simm.s32 @!p0 $0x9;
	[sflag:s17] =	ssyncadd.s32 $0xFFFF9C00  }
0x105: {  	[hbm4b:s23+s2] =	stream.linear.scatter [tilespmem:s15], [sflag:$0x9], $0x6400, $0x38;
	[tilespmem:$0x1A128] =	vst v63  }
0x106: {  	_ =	swait.ge @!p0 [sflag:s21], $0x6400  }
0x107: {  	[sflag:s21] =	ssyncset.done @!p0 $0x0  }
0x108: {  	s1 =	simm.s32 @!p0 $0xC8;
	s18 =	simm.s32 @!p0 $0x13D28;
	[sflag:s21] =	ssyncadd.s32 @!p0 $0xFFFF9C00  }
0x109: {  	[tilespmem:s18], [sflag:$0x5] =	stream.indirect.gather @!p0 [spmem:s3], $0x80, s4, s1, $0xb8;
	[tilespmem:$0x1A128] =	vst v63  }
0x10a: {  	_ =	swait.ge [sflag:s12], $0x6400  }
0x10b: {  	s24 =	sld [smem:$0x7F9]  }
0x10c: {  	[sflag:s12] =	ssyncset.done $0x0  }
0x10d: {  	[sflag:s12] =	ssyncadd.s32 $0xFFFF9C00  }
0x10e: {  	[hbm4b:s24+s2] =	stream.linear.scatter [tilespmem:s9], [sflag:$0x6], $0x6400, $0x38;
	[tilespmem:$0x1A128] =	vst v63  }
0x10f: {  	_ =	swait.ge [sflag:s11], $0x6400  }
0x110: {  	s25 =	sld [smem:$0x7FA]  }
0x111: {  	[sflag:s11] =	ssyncset.done $0x0  }
0x112: {  	[sflag:s11] =	ssyncadd.s32 $0xFFFF9C00  }
0x113: {  	[hbm4b:s25+s2] =	stream.linear.scatter [tilespmem:s8], [sflag:$0x7], $0x6400, $0x38;
	[tilespmem:$0x1A128] =	vst v63  }
0x114: {  	_ =	swait.ge [sflag:s10], $0x6400  }
0x115: {  	s26 =	sld [smem:$0x7FB]  }
0x116: {  	[sflag:s10] =	ssyncset.done $0x0  }
0x117: {  	s19 =	simm.s32 @p0 $0x9;
	[sflag:s10] =	ssyncadd.s32 $0xFFFF9C00  }
0x118: {  	[hbm4b:s26+s2] =	stream.linear.scatter [tilespmem:s7], [sflag:$0x8], $0x6400, $0x38;
	[tilespmem:$0x1A128] =	vst v63  }
0x119: {  	_ =	swait.ge @p0 [sflag:s19], $0x6400  }
0x11a: {  	[sflag:s19] =	ssyncset.done @p0 $0x0  }
0x11b: {  	s4 =	simm.s32 @!p0 $0x5;
	[sflag:s19] =	ssyncadd.s32 @p0 $0xFFFF9C00  }
0x11c: {  	_ =	swait.ge @!p0 [sflag:s4], $0x6400  }
0x11d: {  	s1 =	sld [smem:$0x7FC]  }
0x11e: {  	[sflag:s4] =	ssyncset.done @!p0 $0x0  }
0x11f: {  	[sflag:s4] =	ssyncadd.s32 @!p0 $0xFFFF9C00;
	s4 =	simm.s32 @!p0 $0x0  }
0x120: {  	[hbm4b:s1+s4] =	stream.linear.scatter @!p0 [tilespmem:s18], [sflag:$0x9], $0x6400, $0x38;
	[tilespmem:$0x1A128] =	vst v63  }
0x121: {  	_ =	swait.ge [sflag:s6], $0x6400  }
0x122: {  	[sflag:s6] =	ssyncset.done $0x0  }
0x123: {  	[sflag:s6] =	ssyncadd.s32 $0xFFFF9C00  }
0x124: {  	_ =	swait.ge [sflag:s5], $0x6400  }
0x125: {  	[sflag:s5] =	ssyncset.done $0x0  }
0x126: {  	[sflag:s5] =	ssyncadd.s32 $0xFFFF9C00  }
0x127: {  	_ =	swait.ge [sflag:s31], $0x6400  }
0x128: {  	s29 =	sld [smem:$0x7F6];
	_ =	sdelay $0x2  }
0x129: {  	s26 =	sadd.s32 $0xFFFFFFFF, s29  }
0x12a: {  	p3 =	sne.s32 s26, $0x0  }
.Ltmp1:
0x12b: {  	_ = 	snop;
	(pc) =	sbr.rel @!p3 .LBB2_7-.Ltmp1, $4  }
0x12c: {  	[sflag:s31] =	ssyncset.done $0x0  }
0x12d: {  	[sflag:s31] =	ssyncadd.s32 $0xFFFF9C00  }
0x12e: {  	_ =	swait.ge @!p0 [sflag:s21], $0x6400  }
0x12f: {  	p2 =	por $0x1, $0x1;
	s28 =	sld [smem:$0x7FD];
	[sflag:s21] =	ssyncset.done @!p0 $0x0  }
0x130: {  	s20 =	simm.s32 $0x228  }
0x131: {  	s25 =	simm.s32 $0x528;
	s24 =	simm.s32 $0x628;
	s23 =	simm.s32 $0x828  }
.LBB2_4:
0x132: {  	s29 =	rddreg [dreg:$0x6]  }
0x133: {  	[sflag:s21] =	ssyncadd.s32 @!p0 $0xFFFF9C00;
	s30 =	rddreg [dreg:$0x7];
	s18 =	simm.s32 $0x128  }
0x134: {  	[tilespmem:s18], [sflag:$0x1] =	stream.strided.gather [hbm4b:s29+s13], $0x100, s16, s13, $0x38;
	[tilespmem:$0x1A128] =	vst v63  }
0x135: {  	s17 =	rddreg [dreg:$0x8]  }
0x136: {  	[tilespmem:s20], [sflag:$0x1] =	stream.strided.gather [hbm4b:s30+s13], $0x100, s16, s13, $0x38;
	[tilespmem:$0x1A128] =	vst v63  }
0x137: {  	s15 =	simm.s32 $0x328;
	s4 =	rddreg [dreg:$0xa]  }
0x138: {  	[tilespmem:s15], [sflag:$0x1] =	stream.strided.gather [hbm4b:s17+s13], $0x100, s16, s13, $0x38;
	[tilespmem:$0x1A128] =	vst v63  }
0x139: {  	s7 =	simm.s32 $0x428;
	s30 =	rddreg [dreg:$0x9]  }
0x13a: {  	[tilespmem:s7], [sflag:$0x1] =	stream.strided.gather [hbm4b:s30+s13], $0x100, s16, s13, $0x38;
	[tilespmem:$0x1A128] =	vst v63  }
0x13b: {  	s29 =	rddreg [dreg:$0xc]  }
0x13c: {  	[tilespmem:s25], [sflag:$0x1] =	stream.strided.gather [hbm4b:s4+s13], $0x100, s16, s13, $0x38;
	[tilespmem:$0x1A128] =	vst v63  }
0x13d: {  	s30 =	rddreg [dreg:$0xb]  }
0x13e: {  	[tilespmem:s24], [sflag:$0x1] =	stream.strided.gather [hbm4b:s30+s13], $0x100, s16, s13, $0x38;
	[tilespmem:$0x1A128] =	vst v63  }
0x13f: {  	s4 =	simm.s32 $0x728;
	s30 =	rddreg [dreg:$0xd]  }
0x140: {  	[tilespmem:s4], [sflag:$0x1] =	stream.strided.gather [hbm4b:s29+s13], $0x100, s16, s13, $0x38;
	[tilespmem:$0x1A128] =	vst v63  }
0x141: {  	s29 =	rddreg [dreg:$0xe]  }
0x142: {  	[tilespmem:s23], [sflag:$0x1] =	stream.strided.gather [hbm4b:s30+s13], $0x100, s16, s13, $0x38;
	[tilespmem:$0x1A128] =	vst v63  }
0x143: {  	s22 =	simm.s32 $0x928;
	s30 =	rddreg [dreg:$0xf]  }
0x144: {  	[tilespmem:s22], [sflag:$0x1] =	stream.strided.gather [hbm4b:s29+s13], $0x100, s16, s13, $0x38;
	[tilespmem:$0x1A128] =	vst v63  }
0x145: {  	s19 =	simm.s32 $0xA28;
	s22 =	rddreg [dreg:$0x10]  }
0x146: {  	[tilespmem:s19], [sflag:$0x1] =	stream.strided.gather [hbm4b:s30+s13], $0x100, s16, s13, $0x38;
	[tilespmem:$0x1A128] =	vst v63  }
0x147: {  	s29 =	rddreg [dreg:$0x12];
	s19 =	simm.s32 $0xB28  }
0x148: {  	[tilespmem:s19], [sflag:$0x1] =	stream.strided.gather [hbm4b:s22+s13], $0x100, s16, s13, $0x38;
	[tilespmem:$0x1A128] =	vst v63  }
0x149: {  	s30 =	rddreg [dreg:$0x11];
	s22 =	simm.s32 $0xC28  }
0x14a: {  	[tilespmem:s22], [sflag:$0x1] =	stream.strided.gather [hbm4b:s30+s13], $0x100, s16, s13, $0x38;
	[tilespmem:$0x1A128] =	vst v63  }
0x14b: {  	s30 =	rddreg [dreg:$0x13];
	s22 =	simm.s32 $0xD28  }
0x14c: {  	[tilespmem:s22], [sflag:$0x1] =	stream.strided.gather [hbm4b:s29+s13], $0x100, s16, s13, $0x38;
	[tilespmem:$0x1A128] =	vst v63  }
0x14d: {  	s29 =	rddreg [dreg:$0x14];
	s22 =	simm.s32 $0xE28  }
0x14e: {  	[tilespmem:s22], [sflag:$0x1] =	stream.strided.gather [hbm4b:s30+s13], $0x100, s16, s13, $0x38;
	[tilespmem:$0x1A128] =	vst v63  }
0x14f: {  	s31 =	simm.s32 $0xF28;
	s30 =	rddreg [dreg:$0x15]  }
0x150: {  	[tilespmem:s31], [sflag:$0x1] =	stream.strided.gather [hbm4b:s29+s13], $0x100, s16, s13, $0x38;
	[tilespmem:$0x1A128] =	vst v63  }
0x151: {  	s22 =	simm.s32 @!p0 $0x1028;
	s29 =	simm.s32 @!p0 $0x80;
	s31 =	simm.s32 @!p0 $0x400  }
0x152: {  	[tilespmem:s22], [sflag:$0x1] =	stream.strided.gather @!p0 [hbm4b:s30+s29], $0x100, s31, s29, $0x38;
	[tilespmem:$0x1A128] =	vst v63  }
0x153: {  	s1 =	rddreg [dreg:$0x5];
	s29 =	simm.s32 @!p1 $0x1C0A  }
0x154: {  	[spmem:s28], [sflag:s29] =	dma.local @!p1 [hbm:s1], $0x240  }
0x155: {  	s1 =	simm.s32 @!p1 $0xA  }
0x156: {  	_ =	swait.ge @!p1 [sflag:s1], $0x240  }
0x157: {  	[sflag:s1] =	ssyncset.done @!p1 $0x0  }
0x158: {  	[sflag:s1] =	ssyncadd.s32 @!p1 $0xFFFFFDC0  }
0x159: {  	[bflag:$0x0] =	sbarrier.arrive $0xFFFF  }
0x15a: {  	_ =	swait.ge [sflag:s0], $0x100  }
0x15b: {  	[sflag:s0] =	ssyncset.done $0x0  }
0x15c: {  	[sflag:s0] =	ssyncadd.s32 $0xFFFFFF00  }
0x15d: {  	_ =	swait.ge [sflag:s0], $0x100  }
0x15e: {  	[sflag:s0] =	ssyncset.done $0x0  }
0x15f: {  	[sflag:s0] =	ssyncadd.s32 $0xFFFFFF00  }
0x160: {  	_ =	swait.ge [sflag:s0], $0x100  }
0x161: {  	[sflag:s0] =	ssyncset.done $0x0  }
0x162: {  	[sflag:s0] =	ssyncadd.s32 $0xFFFFFF00  }
0x163: {  	_ =	swait.ge [sflag:s0], $0x100  }
0x164: {  	[sflag:s0] =	ssyncset.done $0x0  }
0x165: {  	[sflag:s0] =	ssyncadd.s32 $0xFFFFFF00  }
0x166: {  	_ =	swait.ge [sflag:s0], $0x100  }
0x167: {  	[sflag:s0] =	ssyncset.done $0x0  }
0x168: {  	[sflag:s0] =	ssyncadd.s32 $0xFFFFFF00  }
0x169: {  	_ =	swait.ge [sflag:s0], $0x100  }
0x16a: {  	[sflag:s0] =	ssyncset.done $0x0  }
0x16b: {  	[sflag:s0] =	ssyncadd.s32 $0xFFFFFF00  }
0x16c: {  	_ =	swait.ge [sflag:s0], $0x100  }
0x16d: {  	[sflag:s0] =	ssyncset.done $0x0  }
0x16e: {  	[sflag:s0] =	ssyncadd.s32 $0xFFFFFF00  }
0x16f: {  	_ =	swait.ge [sflag:s0], $0x100  }
0x170: {  	[sflag:s0] =	ssyncset.done $0x0  }
0x171: {  	[sflag:s0] =	ssyncadd.s32 $0xFFFFFF00  }
0x172: {  	_ =	swait.ge [sflag:s0], $0x100  }
0x173: {  	[sflag:s0] =	ssyncset.done $0x0  }
0x174: {  	[sflag:s0] =	ssyncadd.s32 $0xFFFFFF00  }
0x175: {  	_ =	swait.ge [sflag:s0], $0x100  }
0x176: {  	[sflag:s0] =	ssyncset.done $0x0  }
0x177: {  	[sflag:s0] =	ssyncadd.s32 $0xFFFFFF00  }
0x178: {  	_ =	swait.ge [sflag:s0], $0x100  }
0x179: {  	[sflag:s0] =	ssyncset.done $0x0  }
0x17a: {  	[sflag:s0] =	ssyncadd.s32 $0xFFFFFF00  }
0x17b: {  	_ =	swait.ge [sflag:s0], $0x100  }
0x17c: {  	[sflag:s0] =	ssyncset.done $0x0  }
0x17d: {  	[sflag:s0] =	ssyncadd.s32 $0xFFFFFF00  }
0x17e: {  	_ =	swait.ge [sflag:s0], $0x100  }
0x17f: {  	[sflag:s0] =	ssyncset.done $0x0  }
0x180: {  	[sflag:s0] =	ssyncadd.s32 $0xFFFFFF00  }
0x181: {  	_ =	swait.ge [sflag:s0], $0x100  }
0x182: {  	[sflag:s0] =	ssyncset.done $0x0  }
0x183: {  	[sflag:s0] =	ssyncadd.s32 $0xFFFFFF00  }
0x184: {  	_ =	swait.ge [sflag:s0], $0x100  }
0x185: {  	[sflag:s0] =	ssyncset.done $0x0  }
0x186: {  	s1 =	simm.s32 @!p0 $0x1;
	[sflag:s0] =	ssyncadd.s32 $0xFFFFFF00  }
0x187: {  	_ =	swait.ge @!p0 [sflag:s1], $0x100  }
0x188: {  	[sflag:s1] =	ssyncset.done @!p0 $0x0  }
0x189: {  	s17 =	simm.s32 $0x1128;
	[sflag:s1] =	ssyncadd.s32 @!p0 $0xFFFFFF00  }
0x18a: {  	[tilespmem:s17], [sflag:$0x2] =	stream.indirect.gather [spmem:s3], $0x80, s18, s14, $0xb8;
	[tilespmem:$0x1A128] =	vst v63  }
0x18b: {  	s9 =	simm.s32 $0x7528  }
0x18c: {  	[tilespmem:s9], [sflag:$0x3] =	stream.indirect.gather [spmem:s3], $0x80, s20, s14, $0xb8;
	[tilespmem:$0x1A128] =	vst v63  }
0x18d: {  	s8 =	simm.s32 $0xD928  }
0x18e: {  	[tilespmem:s8], [sflag:$0x4] =	stream.indirect.gather [spmem:s3], $0x80, s15, s14, $0xb8;
	[tilespmem:$0x1A128] =	vst v63  }
0x18f: {  	s15 =	simm.s32 $0x13D28  }
0x190: {  	[tilespmem:s15], [sflag:$0x5] =	stream.indirect.gather [spmem:s3], $0x80, s7, s14, $0xb8;
	[tilespmem:$0x1A128] =	vst v63  }
0x191: {  	_ =	swait.ge [sflag:s12], $0x6400  }
0x192: {  	[sflag:s12] =	ssyncset.done $0x0  }
0x193: {  	s9 =	simm.s32 $0x1128;
	s29 =	rddreg [dreg:$0x16];
	[sflag:s12] =	ssyncadd.s32 $0xFFFF9C00  }
0x194: {  	[hbm4b:s29+s2] =	stream.linear.scatter [tilespmem:s9], [sflag:$0x6], $0x6400, $0x38;
	[tilespmem:$0x1A128] =	vst v63  }
0x195: {  	_ =	swait.ge [sflag:s6], $0x6400  }
0x196: {  	[sflag:s6] =	ssyncset.done $0x0  }
0x197: {  	[sflag:s6] =	ssyncadd.s32 $0xFFFF9C00  }
0x198: {  	[tilespmem:s9], [sflag:$0x2] =	stream.indirect.gather [spmem:s3], $0x80, s25, s14, $0xb8;
	[tilespmem:$0x1A128] =	vst v63  }
0x199: {  	_ =	swait.ge [sflag:s11], $0x6400  }
0x19a: {  	[sflag:s11] =	ssyncset.done $0x0  }
0x19b: {  	s8 =	simm.s32 $0x7528;
	s29 =	rddreg [dreg:$0x17];
	[sflag:s11] =	ssyncadd.s32 $0xFFFF9C00  }
0x19c: {  	[hbm4b:s29+s2] =	stream.linear.scatter [tilespmem:s8], [sflag:$0x7], $0x6400, $0x38;
	[tilespmem:$0x1A128] =	vst v63  }
0x19d: {  	_ =	swait.ge [sflag:s5], $0x6400  }
0x19e: {  	[sflag:s5] =	ssyncset.done $0x0  }
0x19f: {  	[sflag:s5] =	ssyncadd.s32 $0xFFFF9C00  }
0x1a0: {  	[tilespmem:s8], [sflag:$0x3] =	stream.indirect.gather [spmem:s3], $0x80, s24, s14, $0xb8;
	[tilespmem:$0x1A128] =	vst v63  }
0x1a1: {  	_ =	swait.ge [sflag:s10], $0x6400  }
0x1a2: {  	s31 =	simm.s32 $0x8;
	[sflag:s10] =	ssyncset.done $0x0  }
0x1a3: {  	s7 =	simm.s32 $0xD928;
	s29 =	rddreg [dreg:$0x18];
	[sflag:s10] =	ssyncadd.s32 $0xFFFF9C00  }
0x1a4: {  	[hbm4b:s29+s2] =	stream.linear.scatter [tilespmem:s7], [sflag:$0x8], $0x6400, $0x38;
	[tilespmem:$0x1A128] =	vst v63  }
0x1a5: {  	_ =	swait.ge [sflag:s31], $0x6400  }
0x1a6: {  	[sflag:s31] =	ssyncset.done $0x0  }
0x1a7: {  	s17 =	simm.s32 $0x5;
	[sflag:s31] =	ssyncadd.s32 $0xFFFF9C00  }
0x1a8: {  	[tilespmem:s7], [sflag:$0x4] =	stream.indirect.gather [spmem:s3], $0x80, s4, s14, $0xb8;
	[tilespmem:$0x1A128] =	vst v63  }
0x1a9: {  	_ =	swait.ge [sflag:s17], $0x6400  }
0x1aa: {  	[sflag:s17] =	ssyncset.done $0x0  }
0x1ab: {  	s18 =	simm.s32 $0x9;
	s29 =	rddreg [dreg:$0x19];
	[sflag:s17] =	ssyncadd.s32 $0xFFFF9C00  }
0x1ac: {  	[hbm4b:s29+s2] =	stream.linear.scatter [tilespmem:s15], [sflag:$0x9], $0x6400, $0x38;
	[tilespmem:$0x1A128] =	vst v63  }
0x1ad: {  	_ =	swait.ge [sflag:s18], $0x6400  }
0x1ae: {  	[sflag:s18] =	ssyncset.done $0x0  }
0x1af: {  	[sflag:s18] =	ssyncadd.s32 $0xFFFF9C00  }
0x1b0: {  	[tilespmem:s15], [sflag:$0x5] =	stream.indirect.gather [spmem:s3], $0x80, s23, s14, $0xb8;
	[tilespmem:$0x1A128] =	vst v63  }
0x1b1: {  	_ =	swait.ge [sflag:s12], $0x6400  }
0x1b2: {  	[sflag:s12] =	ssyncset.done $0x0  }
0x1b3: {  	s4 =	rddreg [dreg:$0x1a];
	[sflag:s12] =	ssyncadd.s32 $0xFFFF9C00  }
0x1b4: {  	[hbm4b:s4+s2] =	stream.linear.scatter [tilespmem:s9], [sflag:$0x6], $0x6400, $0x38;
	[tilespmem:$0x1A128] =	vst v63  }
0x1b5: {  	_ =	swait.ge [sflag:s6], $0x6400  }
0x1b6: {  	[sflag:s6] =	ssyncset.done $0x0  }
0x1b7: {  	s29 =	simm.s32 $0x928;
	[sflag:s6] =	ssyncadd.s32 $0xFFFF9C00  }
0x1b8: {  	[tilespmem:s9], [sflag:$0x2] =	stream.indirect.gather [spmem:s3], $0x80, s29, s14, $0xb8;
	[tilespmem:$0x1A128] =	vst v63  }
0x1b9: {  	_ =	swait.ge [sflag:s11], $0x6400  }
0x1ba: {  	[sflag:s11] =	ssyncset.done $0x0  }
0x1bb: {  	s4 =	rddreg [dreg:$0x1b];
	[sflag:s11] =	ssyncadd.s32 $0xFFFF9C00  }
0x1bc: {  	[hbm4b:s4+s2] =	stream.linear.scatter [tilespmem:s8], [sflag:$0x7], $0x6400, $0x38;
	[tilespmem:$0x1A128] =	vst v63  }
0x1bd: {  	_ =	swait.ge [sflag:s5], $0x6400  }
0x1be: {  	[sflag:s5] =	ssyncset.done $0x0  }
0x1bf: {  	s30 =	simm.s32 $0xA28;
	[sflag:s5] =	ssyncadd.s32 $0xFFFF9C00  }
0x1c0: {  	[tilespmem:s8], [sflag:$0x3] =	stream.indirect.gather [spmem:s3], $0x80, s30, s14, $0xb8;
	[tilespmem:$0x1A128] =	vst v63  }
0x1c1: {  	_ =	swait.ge [sflag:s10], $0x6400  }
0x1c2: {  	[sflag:s10] =	ssyncset.done $0x0  }
0x1c3: {  	s29 =	rddreg [dreg:$0x1c];
	[sflag:s10] =	ssyncadd.s32 $0xFFFF9C00  }
0x1c4: {  	[hbm4b:s29+s2] =	stream.linear.scatter [tilespmem:s7], [sflag:$0x8], $0x6400, $0x38;
	[tilespmem:$0x1A128] =	vst v63  }
0x1c5: {  	_ =	swait.ge [sflag:s31], $0x6400  }
0x1c6: {  	[sflag:s31] =	ssyncset.done $0x0  }
0x1c7: {  	[sflag:s31] =	ssyncadd.s32 $0xFFFF9C00  }
0x1c8: {  	[tilespmem:s7], [sflag:$0x4] =	stream.indirect.gather [spmem:s3], $0x80, s19, s14, $0xb8;
	[tilespmem:$0x1A128] =	vst v63  }
0x1c9: {  	_ =	swait.ge [sflag:s17], $0x6400  }
0x1ca: {  	[sflag:s17] =	ssyncset.done $0x0  }
0x1cb: {  	s4 =	rddreg [dreg:$0x1d];
	[sflag:s17] =	ssyncadd.s32 $0xFFFF9C00  }
0x1cc: {  	[hbm4b:s4+s2] =	stream.linear.scatter [tilespmem:s15], [sflag:$0x9], $0x6400, $0x38;
	[tilespmem:$0x1A128] =	vst v63  }
0x1cd: {  	_ =	swait.ge [sflag:s18], $0x6400  }
0x1ce: {  	[sflag:s18] =	ssyncset.done $0x0  }
0x1cf: {  	s19 =	simm.s32 $0xC28;
	[sflag:s18] =	ssyncadd.s32 $0xFFFF9C00  }
0x1d0: {  	[tilespmem:s15], [sflag:$0x5] =	stream.indirect.gather [spmem:s3], $0x80, s19, s14, $0xb8;
	[tilespmem:$0x1A128] =	vst v63  }
0x1d1: {  	_ =	swait.ge [sflag:s12], $0x6400  }
0x1d2: {  	[sflag:s12] =	ssyncset.done $0x0  }
0x1d3: {  	s29 =	rddreg [dreg:$0x1e];
	[sflag:s12] =	ssyncadd.s32 $0xFFFF9C00  }
0x1d4: {  	[hbm4b:s29+s2] =	stream.linear.scatter [tilespmem:s9], [sflag:$0x6], $0x6400, $0x38;
	[tilespmem:$0x1A128] =	vst v63  }
0x1d5: {  	_ =	swait.ge [sflag:s6], $0x6400  }
0x1d6: {  	[sflag:s6] =	ssyncset.done $0x0  }
0x1d7: {  	s4 =	simm.s32 $0xD28;
	[sflag:s6] =	ssyncadd.s32 $0xFFFF9C00  }
0x1d8: {  	[tilespmem:s9], [sflag:$0x2] =	stream.indirect.gather [spmem:s3], $0x80, s4, s14, $0xb8;
	[tilespmem:$0x1A128] =	vst v63  }
0x1d9: {  	_ =	swait.ge [sflag:s11], $0x6400  }
0x1da: {  	[sflag:s11] =	ssyncset.done $0x0  }
0x1db: {  	s18 =	rddreg [dreg:$0x1f];
	[sflag:s11] =	ssyncadd.s32 $0xFFFF9C00  }
0x1dc: {  	[hbm4b:s18+s2] =	stream.linear.scatter [tilespmem:s8], [sflag:$0x7], $0x6400, $0x38;
	[tilespmem:$0x1A128] =	vst v63  }
0x1dd: {  	_ =	swait.ge [sflag:s5], $0x6400  }
0x1de: {  	[sflag:s5] =	ssyncset.done $0x0  }
0x1df: {  	s19 =	simm.s32 $0xE28;
	[sflag:s5] =	ssyncadd.s32 $0xFFFF9C00  }
0x1e0: {  	[tilespmem:s8], [sflag:$0x3] =	stream.indirect.gather [spmem:s3], $0x80, s19, s14, $0xb8;
	[tilespmem:$0x1A128] =	vst v63  }
0x1e1: {  	_ =	swait.ge [sflag:s10], $0x6400  }
0x1e2: {  	s29 =	sld [smem:$0x7F7]  }
0x1e3: {  	[sflag:s10] =	ssyncset.done $0x0  }
0x1e4: {  	[sflag:s10] =	ssyncadd.s32 $0xFFFF9C00  }
0x1e5: {  	[hbm4b:s29+s2] =	stream.linear.scatter [tilespmem:s7], [sflag:$0x8], $0x6400, $0x38;
	[tilespmem:$0x1A128] =	vst v63  }
0x1e6: {  	_ =	swait.ge [sflag:s31], $0x6400  }
0x1e7: {  	[sflag:s31] =	ssyncset.done $0x0  }
0x1e8: {  	s4 =	simm.s32 $0xF28;
	[sflag:s31] =	ssyncadd.s32 $0xFFFF9C00  }
0x1e9: {  	[tilespmem:s7], [sflag:$0x4] =	stream.indirect.gather [spmem:s3], $0x80, s4, s14, $0xb8;
	[tilespmem:$0x1A128] =	vst v63  }
0x1ea: {  	_ =	swait.ge [sflag:s17], $0x6400  }
0x1eb: {  	s18 =	sld [smem:$0x7F8]  }
0x1ec: {  	[sflag:s17] =	ssyncset.done $0x0  }
0x1ed: {  	[sflag:s17] =	ssyncadd.s32 $0xFFFF9C00  }
0x1ee: {  	[hbm4b:s18+s2] =	stream.linear.scatter [tilespmem:s15], [sflag:$0x9], $0x6400, $0x38;
	[tilespmem:$0x1A128] =	vst v63  }
0x1ef: {  	_ =	swait.ge @!p0 [sflag:s21], $0x6400  }
0x1f0: {  	s22 =	simm.s32 @!p0 $0x1028;
	[sflag:s21] =	ssyncset.done @!p0 $0x0  }
0x1f1: {  	s1 =	simm.s32 @!p0 $0xC8;
	s18 =	simm.s32 @!p0 $0x13D28;
	[sflag:s21] =	ssyncadd.s32 @!p0 $0xFFFF9C00  }
0x1f2: {  	[tilespmem:s18], [sflag:$0x5] =	stream.indirect.gather @!p0 [spmem:s3], $0x80, s22, s1, $0xb8;
	[tilespmem:$0x1A128] =	vst v63  }
0x1f3: {  	_ =	swait.ge [sflag:s12], $0x6400  }
0x1f4: {  	s19 =	sld [smem:$0x7F9]  }
0x1f5: {  	[sflag:s12] =	ssyncset.done $0x0  }
0x1f6: {  	[sflag:s12] =	ssyncadd.s32 $0xFFFF9C00  }
0x1f7: {  	[hbm4b:s19+s2] =	stream.linear.scatter [tilespmem:s9], [sflag:$0x6], $0x6400, $0x38;
	[tilespmem:$0x1A128] =	vst v63  }
0x1f8: {  	_ =	swait.ge [sflag:s11], $0x6400  }
0x1f9: {  	s22 =	sld [smem:$0x7FA]  }
0x1fa: {  	[sflag:s11] =	ssyncset.done $0x0  }
0x1fb: {  	[sflag:s11] =	ssyncadd.s32 $0xFFFF9C00  }
0x1fc: {  	[hbm4b:s22+s2] =	stream.linear.scatter [tilespmem:s8], [sflag:$0x7], $0x6400, $0x38;
	[tilespmem:$0x1A128] =	vst v63  }
0x1fd: {  	_ =	swait.ge [sflag:s10], $0x6400  }
0x1fe: {  	s29 =	sld [smem:$0x7FB]  }
0x1ff: {  	[sflag:s10] =	ssyncset.done $0x0  }
0x200: {  	s1 =	simm.s32 @p0 $0x9;
	[sflag:s10] =	ssyncadd.s32 $0xFFFF9C00  }
0x201: {  	[hbm4b:s29+s2] =	stream.linear.scatter [tilespmem:s7], [sflag:$0x8], $0x6400, $0x38;
	[tilespmem:$0x1A128] =	vst v63  }
0x202: {  	_ =	swait.ge @p0 [sflag:s1], $0x6400  }
0x203: {  	[sflag:s1] =	ssyncset.done @p0 $0x0  }
0x204: {  	s4 =	simm.s32 @!p0 $0x5;
	[sflag:s1] =	ssyncadd.s32 @p0 $0xFFFF9C00  }
0x205: {  	_ =	swait.ge @!p0 [sflag:s4], $0x6400  }
0x206: {  	s1 =	sld [smem:$0x7FC]  }
0x207: {  	[sflag:s4] =	ssyncset.done @!p0 $0x0  }
0x208: {  	[sflag:s4] =	ssyncadd.s32 @!p0 $0xFFFF9C00;
	s4 =	simm.s32 @!p0 $0x0  }
0x209: {  	[hbm4b:s1+s4] =	stream.linear.scatter @!p0 [tilespmem:s18], [sflag:$0x9], $0x6400, $0x38;
	[tilespmem:$0x1A128] =	vst v63  }
0x20a: {  	_ =	swait.ge [sflag:s6], $0x6400  }
0x20b: {  	[sflag:s6] =	ssyncset.done $0x0  }
0x20c: {  	[sflag:s6] =	ssyncadd.s32 $0xFFFF9C00  }
0x20d: {  	_ =	swait.ge [sflag:s5], $0x6400  }
0x20e: {  	s26 =	sadd.s32 $0xFFFFFFFF, s26;
	[sflag:s5] =	ssyncset.done $0x0  }
0x20f: {  	p3 =	sne.s32 s26, $0x0;
	[sflag:s5] =	ssyncadd.s32 $0xFFFF9C00  }
.Ltmp2:
0x210: {  	_ =	swait.ge [sflag:s31], $0x6400;
	(pc) =	sbr.rel @p3 .LBB2_4-.Ltmp2, $4  }
0x211: {  	[sflag:s31] =	ssyncset.done $0x0  }
0x212: {  	[sflag:s31] =	ssyncadd.s32 $0xFFFF9C00  }
0x213: {  	_ =	swait.ge @!p0 [sflag:s21], $0x6400  }
0x214: {  	s28 =	sld [smem:$0x7FD];
	[sflag:s21] =	ssyncset.done @!p0 $0x0  }
0x215: {  	s24 =	stileid.u32;
	s29 =	simm.s32 $0xE28  }
0x216: {  	s19 =	simm.s32 $0xD28;
	s20 =	simm.s32 $0xB28;
	s25 =	simm.s32 $0x728  }
.LBB2_6:
0x217: {  	p2 =	por p0, !p2  }
0x218: {  	s1 =	rddreg [dreg:$0x6];
	s4 =	simm.s32 $0x128;
	[sflag:s21] =	ssyncadd.s32 @!p2 $0xFFFF9C00  }
0x219: {  	[tilespmem:s4], [sflag:$0x1] =	stream.strided.gather [hbm4b:s1+s13], $0x100, s16, s13, $0x38;
	[tilespmem:$0x1A128] =	vst v63  }
0x21a: {  	s18 =	rddreg [dreg:$0x7];
	s21 =	simm.s32 $0x228  }
0x21b: {  	[tilespmem:s21], [sflag:$0x1] =	stream.strided.gather [hbm4b:s18+s13], $0x100, s16, s13, $0x38;
	[tilespmem:$0x1A128] =	vst v63  }
0x21c: {  	s26 =	simm.s32 $0x328;
	s1 =	rddreg [dreg:$0x8]  }
0x21d: {  	[tilespmem:s26], [sflag:$0x1] =	stream.strided.gather [hbm4b:s1+s13], $0x100, s16, s13, $0x38;
	[tilespmem:$0x1A128] =	vst v63  }
0x21e: {  	s22 =	rddreg [dreg:$0x9];
	s21 =	simm.s32 $0x428  }
0x21f: {  	[tilespmem:s21], [sflag:$0x1] =	stream.strided.gather [hbm4b:s22+s13], $0x100, s16, s13, $0x38;
	[tilespmem:$0x1A128] =	vst v63  }
0x220: {  	s4 =	rddreg [dreg:$0xa];
	s22 =	simm.s32 $0x528  }
0x221: {  	[tilespmem:s22], [sflag:$0x1] =	stream.strided.gather [hbm4b:s4+s13], $0x100, s16, s13, $0x38;
	[tilespmem:$0x1A128] =	vst v63  }
0x222: {  	s18 =	rddreg [dreg:$0xb];
	s22 =	simm.s32 $0x628  }
0x223: {  	[tilespmem:s22], [sflag:$0x1] =	stream.strided.gather [hbm4b:s18+s13], $0x100, s16, s13, $0x38;
	[tilespmem:$0x1A128] =	vst v63  }
0x224: {  	s1 =	rddreg [dreg:$0xc]  }
0x225: {  	[tilespmem:s25], [sflag:$0x1] =	stream.strided.gather [hbm4b:s1+s13], $0x100, s16, s13, $0x38;
	[tilespmem:$0x1A128] =	vst v63  }
0x226: {  	s22 =	rddreg [dreg:$0xd];
	s25 =	simm.s32 $0x828  }
0x227: {  	[tilespmem:s25], [sflag:$0x1] =	stream.strided.gather [hbm4b:s22+s13], $0x100, s16, s13, $0x38;
	[tilespmem:$0x1A128] =	vst v63  }
0x228: {  	s1 =	rddreg [dreg:$0xe];
	s22 =	simm.s32 $0x928  }
0x229: {  	[tilespmem:s22], [sflag:$0x1] =	stream.strided.gather [hbm4b:s1+s13], $0x100, s16, s13, $0x38;
	[tilespmem:$0x1A128] =	vst v63  }
0x22a: {  	s18 =	rddreg [dreg:$0xf]  }
0x22b: {  	[tilespmem:s30], [sflag:$0x1] =	stream.strided.gather [hbm4b:s18+s13], $0x100, s16, s13, $0x38;
	[tilespmem:$0x1A128] =	vst v63  }
0x22c: {  	s1 =	rddreg [dreg:$0x10]  }
0x22d: {  	[tilespmem:s20], [sflag:$0x1] =	stream.strided.gather [hbm4b:s1+s13], $0x100, s16, s13, $0x38;
	[tilespmem:$0x1A128] =	vst v63  }
0x22e: {  	s18 =	rddreg [dreg:$0x11];
	s20 =	simm.s32 $0xC28  }
0x22f: {  	[tilespmem:s20], [sflag:$0x1] =	stream.strided.gather [hbm4b:s18+s13], $0x100, s16, s13, $0x38;
	[tilespmem:$0x1A128] =	vst v63  }
0x230: {  	s1 =	rddreg [dreg:$0x12]  }
0x231: {  	[tilespmem:s19], [sflag:$0x1] =	stream.strided.gather [hbm4b:s1+s13], $0x100, s16, s13, $0x38;
	[tilespmem:$0x1A128] =	vst v63  }
0x232: {  	s18 =	rddreg [dreg:$0x13]  }
0x233: {  	[tilespmem:s29], [sflag:$0x1] =	stream.strided.gather [hbm4b:s18+s13], $0x100, s16, s13, $0x38;
	[tilespmem:$0x1A128] =	vst v63  }
0x234: {  	s1 =	rddreg [dreg:$0x14];
	s19 =	simm.s32 $0xF28;
	s18 =	simm.s32 @!p0 $0x80  }
0x235: {  	[tilespmem:s19], [sflag:$0x1] =	stream.strided.gather [hbm4b:s1+s13], $0x100, s16, s13, $0x38;
	[tilespmem:$0x1A128] =	vst v63  }
0x236: {  	s1 =	rddreg [dreg:$0x15];
	s19 =	simm.s32 @!p0 $0x400;
	s13 =	simm.s32 @!p0 $0x1028  }
0x237: {  	[tilespmem:s13], [sflag:$0x1] =	stream.strided.gather @!p0 [hbm4b:s1+s18], $0x100, s19, s18, $0x38;
	[tilespmem:$0x1A128] =	vst v63  }
0x238: {  	s16 =	rddreg [dreg:$0x5];
	s1 =	simm.s32 @!p1 $0x1C0A  }
0x239: {  	[spmem:s28], [sflag:s1] =	dma.local @!p1 [hbm:s16], $0x240  }
0x23a: {  	s1 =	simm.s32 @!p1 $0xA  }
0x23b: {  	_ =	swait.ge @!p1 [sflag:s1], $0x240  }
0x23c: {  	[sflag:s1] =	ssyncset.done @!p1 $0x0  }
0x23d: {  	[sflag:s1] =	ssyncadd.s32 @!p1 $0xFFFFFDC0  }
0x23e: {  	[bflag:$0x0] =	sbarrier.arrive $0xFFFF  }
0x23f: {  	_ =	swait.ge [sflag:s0], $0x100  }
0x240: {  	[sflag:s0] =	ssyncset.done $0x0  }
0x241: {  	[sflag:s0] =	ssyncadd.s32 $0xFFFFFF00  }
0x242: {  	_ =	swait.ge [sflag:s0], $0x100  }
0x243: {  	[sflag:s0] =	ssyncset.done $0x0  }
0x244: {  	[sflag:s0] =	ssyncadd.s32 $0xFFFFFF00  }
0x245: {  	_ =	swait.ge [sflag:s0], $0x100  }
0x246: {  	[sflag:s0] =	ssyncset.done $0x0  }
0x247: {  	[sflag:s0] =	ssyncadd.s32 $0xFFFFFF00  }
0x248: {  	_ =	swait.ge [sflag:s0], $0x100  }
0x249: {  	[sflag:s0] =	ssyncset.done $0x0  }
0x24a: {  	[sflag:s0] =	ssyncadd.s32 $0xFFFFFF00  }
0x24b: {  	_ =	swait.ge [sflag:s0], $0x100  }
0x24c: {  	[sflag:s0] =	ssyncset.done $0x0  }
0x24d: {  	[sflag:s0] =	ssyncadd.s32 $0xFFFFFF00  }
0x24e: {  	_ =	swait.ge [sflag:s0], $0x100  }
0x24f: {  	[sflag:s0] =	ssyncset.done $0x0  }
0x250: {  	[sflag:s0] =	ssyncadd.s32 $0xFFFFFF00  }
0x251: {  	_ =	swait.ge [sflag:s0], $0x100  }
0x252: {  	[sflag:s0] =	ssyncset.done $0x0  }
0x253: {  	[sflag:s0] =	ssyncadd.s32 $0xFFFFFF00  }
0x254: {  	_ =	swait.ge [sflag:s0], $0x100  }
0x255: {  	[sflag:s0] =	ssyncset.done $0x0  }
0x256: {  	[sflag:s0] =	ssyncadd.s32 $0xFFFFFF00  }
0x257: {  	_ =	swait.ge [sflag:s0], $0x100  }
0x258: {  	[sflag:s0] =	ssyncset.done $0x0  }
0x259: {  	[sflag:s0] =	ssyncadd.s32 $0xFFFFFF00  }
0x25a: {  	_ =	swait.ge [sflag:s0], $0x100  }
0x25b: {  	[sflag:s0] =	ssyncset.done $0x0  }
0x25c: {  	[sflag:s0] =	ssyncadd.s32 $0xFFFFFF00  }
0x25d: {  	_ =	swait.ge [sflag:s0], $0x100  }
0x25e: {  	[sflag:s0] =	ssyncset.done $0x0  }
0x25f: {  	[sflag:s0] =	ssyncadd.s32 $0xFFFFFF00  }
0x260: {  	_ =	swait.ge [sflag:s0], $0x100  }
0x261: {  	[sflag:s0] =	ssyncset.done $0x0  }
0x262: {  	[sflag:s0] =	ssyncadd.s32 $0xFFFFFF00  }
0x263: {  	_ =	swait.ge [sflag:s0], $0x100  }
0x264: {  	[sflag:s0] =	ssyncset.done $0x0  }
0x265: {  	[sflag:s0] =	ssyncadd.s32 $0xFFFFFF00  }
0x266: {  	_ =	swait.ge [sflag:s0], $0x100  }
0x267: {  	[sflag:s0] =	ssyncset.done $0x0  }
0x268: {  	[sflag:s0] =	ssyncadd.s32 $0xFFFFFF00  }
0x269: {  	_ =	swait.ge [sflag:s0], $0x100  }
0x26a: {  	[sflag:s0] =	ssyncset.done $0x0  }
0x26b: {  	[sflag:s0] =	ssyncadd.s32 $0xFFFFFF00;
	s0 =	simm.s32 @!p0 $0x1  }
0x26c: {  	_ =	swait.ge @!p0 [sflag:s0], $0x100  }
0x26d: {  	[sflag:s0] =	ssyncset.done @!p0 $0x0  }
0x26e: {  	s28 =	simm.s32 $0x128;
	[sflag:s0] =	ssyncadd.s32 @!p0 $0xFFFFFF00  }
0x26f: {  	[tilespmem:s9], [sflag:$0x2] =	stream.indirect.gather [spmem:s3], $0x80, s28, s14, $0xb8;
	[tilespmem:$0x1A128] =	vst v63  }
0x270: {  	s23 =	simm.s32 $0x228  }
0x271: {  	[tilespmem:s8], [sflag:$0x3] =	stream.indirect.gather [spmem:s3], $0x80, s23, s14, $0xb8;
	[tilespmem:$0x1A128] =	vst v63  }
0x272: {  	_ = 	snop  }
0x273: {  	[tilespmem:s7], [sflag:$0x4] =	stream.indirect.gather [spmem:s3], $0x80, s26, s14, $0xb8;
	[tilespmem:$0x1A128] =	vst v63  }
0x274: {  	_ = 	snop  }
0x275: {  	[tilespmem:s15], [sflag:$0x5] =	stream.indirect.gather [spmem:s3], $0x80, s21, s14, $0xb8;
	[tilespmem:$0x1A128] =	vst v63  }
0x276: {  	_ =	swait.ge [sflag:s12], $0x6400  }
0x277: {  	[sflag:s12] =	ssyncset.done $0x0  }
0x278: {  	s1 =	rddreg [dreg:$0x16];
	[sflag:s12] =	ssyncadd.s32 $0xFFFF9C00  }
0x279: {  	[hbm4b:s1+s2] =	stream.linear.scatter [tilespmem:s9], [sflag:$0x6], $0x6400, $0x38;
	[tilespmem:$0x1A128] =	vst v63  }
0x27a: {  	_ =	swait.ge [sflag:s6], $0x6400  }
0x27b: {  	[sflag:s6] =	ssyncset.done $0x0  }
0x27c: {  	s16 =	simm.s32 $0x528;
	[sflag:s6] =	ssyncadd.s32 $0xFFFF9C00  }
0x27d: {  	[tilespmem:s9], [sflag:$0x2] =	stream.indirect.gather [spmem:s3], $0x80, s16, s14, $0xb8;
	[tilespmem:$0x1A128] =	vst v63  }
0x27e: {  	_ =	swait.ge [sflag:s11], $0x6400  }
0x27f: {  	[sflag:s11] =	ssyncset.done $0x0  }
0x280: {  	s18 =	rddreg [dreg:$0x17];
	[sflag:s11] =	ssyncadd.s32 $0xFFFF9C00  }
0x281: {  	[hbm4b:s18+s2] =	stream.linear.scatter [tilespmem:s8], [sflag:$0x7], $0x6400, $0x38;
	[tilespmem:$0x1A128] =	vst v63  }
0x282: {  	_ =	swait.ge [sflag:s5], $0x6400  }
0x283: {  	[sflag:s5] =	ssyncset.done $0x0  }
0x284: {  	s4 =	simm.s32 $0x628;
	[sflag:s5] =	ssyncadd.s32 $0xFFFF9C00  }
0x285: {  	[tilespmem:s8], [sflag:$0x3] =	stream.indirect.gather [spmem:s3], $0x80, s4, s14, $0xb8;
	[tilespmem:$0x1A128] =	vst v63  }
0x286: {  	_ =	swait.ge [sflag:s10], $0x6400  }
0x287: {  	[sflag:s10] =	ssyncset.done $0x0  }
0x288: {  	s19 =	rddreg [dreg:$0x18];
	[sflag:s10] =	ssyncadd.s32 $0xFFFF9C00  }
0x289: {  	[hbm4b:s19+s2] =	stream.linear.scatter [tilespmem:s7], [sflag:$0x8], $0x6400, $0x38;
	[tilespmem:$0x1A128] =	vst v63  }
0x28a: {  	_ =	swait.ge [sflag:s31], $0x6400  }
0x28b: {  	[sflag:s31] =	ssyncset.done $0x0  }
0x28c: {  	s21 =	simm.s32 $0x728;
	[sflag:s31] =	ssyncadd.s32 $0xFFFF9C00  }
0x28d: {  	[tilespmem:s7], [sflag:$0x4] =	stream.indirect.gather [spmem:s3], $0x80, s21, s14, $0xb8;
	[tilespmem:$0x1A128] =	vst v63  }
0x28e: {  	_ =	swait.ge [sflag:s17], $0x6400  }
0x28f: {  	[sflag:s17] =	ssyncset.done $0x0  }
0x290: {  	s26 =	simm.s32 $0x9;
	s23 =	rddreg [dreg:$0x19];
	[sflag:s17] =	ssyncadd.s32 $0xFFFF9C00  }
0x291: {  	[hbm4b:s23+s2] =	stream.linear.scatter [tilespmem:s15], [sflag:$0x9], $0x6400, $0x38;
	[tilespmem:$0x1A128] =	vst v63  }
0x292: {  	_ =	swait.ge [sflag:s26], $0x6400  }
0x293: {  	[sflag:s26] =	ssyncset.done $0x0  }
0x294: {  	[sflag:s26] =	ssyncadd.s32 $0xFFFF9C00  }
0x295: {  	[tilespmem:s15], [sflag:$0x5] =	stream.indirect.gather [spmem:s3], $0x80, s25, s14, $0xb8;
	[tilespmem:$0x1A128] =	vst v63  }
0x296: {  	_ =	swait.ge [sflag:s12], $0x6400  }
0x297: {  	[sflag:s12] =	ssyncset.done $0x0  }
0x298: {  	s28 =	rddreg [dreg:$0x1a];
	[sflag:s12] =	ssyncadd.s32 $0xFFFF9C00  }
0x299: {  	[hbm4b:s28+s2] =	stream.linear.scatter [tilespmem:s9], [sflag:$0x6], $0x6400, $0x38;
	[tilespmem:$0x1A128] =	vst v63  }
0x29a: {  	_ =	swait.ge [sflag:s6], $0x6400  }
0x29b: {  	[sflag:s6] =	ssyncset.done $0x0  }
0x29c: {  	[sflag:s6] =	ssyncadd.s32 $0xFFFF9C00  }
0x29d: {  	[tilespmem:s9], [sflag:$0x2] =	stream.indirect.gather [spmem:s3], $0x80, s22, s14, $0xb8;
	[tilespmem:$0x1A128] =	vst v63  }
0x29e: {  	_ =	swait.ge [sflag:s11], $0x6400  }
0x29f: {  	[sflag:s11] =	ssyncset.done $0x0  }
0x2a0: {  	s4 =	rddreg [dreg:$0x1b];
	[sflag:s11] =	ssyncadd.s32 $0xFFFF9C00  }
0x2a1: {  	[hbm4b:s4+s2] =	stream.linear.scatter [tilespmem:s8], [sflag:$0x7], $0x6400, $0x38;
	[tilespmem:$0x1A128] =	vst v63  }
0x2a2: {  	_ =	swait.ge [sflag:s5], $0x6400  }
0x2a3: {  	[sflag:s5] =	ssyncset.done $0x0  }
0x2a4: {  	[sflag:s5] =	ssyncadd.s32 $0xFFFF9C00  }
0x2a5: {  	[tilespmem:s8], [sflag:$0x3] =	stream.indirect.gather [spmem:s3], $0x80, s30, s14, $0xb8;
	[tilespmem:$0x1A128] =	vst v63  }
0x2a6: {  	_ =	swait.ge [sflag:s10], $0x6400  }
0x2a7: {  	[sflag:s10] =	ssyncset.done $0x0  }
0x2a8: {  	s16 =	rddreg [dreg:$0x1c];
	[sflag:s10] =	ssyncadd.s32 $0xFFFF9C00  }
0x2a9: {  	[hbm4b:s16+s2] =	stream.linear.scatter [tilespmem:s7], [sflag:$0x8], $0x6400, $0x38;
	[tilespmem:$0x1A128] =	vst v63  }
0x2aa: {  	_ =	swait.ge [sflag:s31], $0x6400  }
0x2ab: {  	[sflag:s31] =	ssyncset.done $0x0  }
0x2ac: {  	s18 =	simm.s32 $0xB28;
	[sflag:s31] =	ssyncadd.s32 $0xFFFF9C00  }
0x2ad: {  	[tilespmem:s7], [sflag:$0x4] =	stream.indirect.gather [spmem:s3], $0x80, s18, s14, $0xb8;
	[tilespmem:$0x1A128] =	vst v63  }
0x2ae: {  	_ =	swait.ge [sflag:s17], $0x6400  }
0x2af: {  	[sflag:s17] =	ssyncset.done $0x0  }
0x2b0: {  	s19 =	rddreg [dreg:$0x1d];
	[sflag:s17] =	ssyncadd.s32 $0xFFFF9C00  }
0x2b1: {  	[hbm4b:s19+s2] =	stream.linear.scatter [tilespmem:s15], [sflag:$0x9], $0x6400, $0x38;
	[tilespmem:$0x1A128] =	vst v63  }
0x2b2: {  	_ =	swait.ge [sflag:s26], $0x6400  }
0x2b3: {  	[sflag:s26] =	ssyncset.done $0x0  }
0x2b4: {  	[sflag:s26] =	ssyncadd.s32 $0xFFFF9C00  }
0x2b5: {  	[tilespmem:s15], [sflag:$0x5] =	stream.indirect.gather [spmem:s3], $0x80, s20, s14, $0xb8;
	[tilespmem:$0x1A128] =	vst v63  }
0x2b6: {  	_ =	swait.ge [sflag:s12], $0x6400  }
0x2b7: {  	[sflag:s12] =	ssyncset.done $0x0  }
0x2b8: {  	s20 =	rddreg [dreg:$0x1e];
	[sflag:s12] =	ssyncadd.s32 $0xFFFF9C00  }
0x2b9: {  	[hbm4b:s20+s2] =	stream.linear.scatter [tilespmem:s9], [sflag:$0x6], $0x6400, $0x38;
	[tilespmem:$0x1A128] =	vst v63  }
0x2ba: {  	_ =	swait.ge [sflag:s6], $0x6400  }
0x2bb: {  	[sflag:s6] =	ssyncset.done $0x0  }
0x2bc: {  	s21 =	simm.s32 $0xD28;
	[sflag:s6] =	ssyncadd.s32 $0xFFFF9C00  }
0x2bd: {  	[tilespmem:s9], [sflag:$0x2] =	stream.indirect.gather [spmem:s3], $0x80, s21, s14, $0xb8;
	[tilespmem:$0x1A128] =	vst v63  }
0x2be: {  	_ =	swait.ge [sflag:s11], $0x6400  }
0x2bf: {  	[sflag:s11] =	ssyncset.done $0x0  }
0x2c0: {  	s22 =	rddreg [dreg:$0x1f];
	[sflag:s11] =	ssyncadd.s32 $0xFFFF9C00  }
0x2c1: {  	[hbm4b:s22+s2] =	stream.linear.scatter [tilespmem:s8], [sflag:$0x7], $0x6400, $0x38;
	[tilespmem:$0x1A128] =	vst v63  }
0x2c2: {  	_ =	swait.ge [sflag:s5], $0x6400  }
0x2c3: {  	[sflag:s5] =	ssyncset.done $0x0  }
0x2c4: {  	[sflag:s5] =	ssyncadd.s32 $0xFFFF9C00  }
0x2c5: {  	[tilespmem:s8], [sflag:$0x3] =	stream.indirect.gather [spmem:s3], $0x80, s29, s14, $0xb8;
	[tilespmem:$0x1A128] =	vst v63  }
0x2c6: {  	_ =	swait.ge [sflag:s10], $0x6400  }
0x2c7: {  	s23 =	sld [smem:$0x7F7]  }
0x2c8: {  	[sflag:s10] =	ssyncset.done $0x0  }
0x2c9: {  	[sflag:s10] =	ssyncadd.s32 $0xFFFF9C00  }
0x2ca: {  	[hbm4b:s23+s2] =	stream.linear.scatter [tilespmem:s7], [sflag:$0x8], $0x6400, $0x38;
	[tilespmem:$0x1A128] =	vst v63  }
0x2cb: {  	_ =	swait.ge [sflag:s31], $0x6400  }
0x2cc: {  	[sflag:s31] =	ssyncset.done $0x0  }
0x2cd: {  	s25 =	simm.s32 $0xF28;
	[sflag:s31] =	ssyncadd.s32 $0xFFFF9C00  }
0x2ce: {  	[tilespmem:s7], [sflag:$0x4] =	stream.indirect.gather [spmem:s3], $0x80, s25, s14, $0xb8;
	[tilespmem:$0x1A128] =	vst v63  }
0x2cf: {  	_ =	swait.ge [sflag:s17], $0x6400  }
0x2d0: {  	s26 =	sld [smem:$0x7F8]  }
0x2d1: {  	[sflag:s17] =	ssyncset.done $0x0  }
0x2d2: {  	s1 =	simm.s32 @!p0 $0x9;
	[sflag:s17] =	ssyncadd.s32 $0xFFFF9C00  }
0x2d3: {  	[hbm4b:s26+s2] =	stream.linear.scatter [tilespmem:s15], [sflag:$0x9], $0x6400, $0x38;
	[tilespmem:$0x1A128] =	vst v63  }
0x2d4: {  	_ =	swait.ge @!p0 [sflag:s1], $0x6400  }
0x2d5: {  	[sflag:s1] =	ssyncset.done @!p0 $0x0  }
0x2d6: {  	s0 =	simm.s32 @!p0 $0xC8;
	s14 =	simm.s32 @!p0 $0x13D28;
	[sflag:s1] =	ssyncadd.s32 @!p0 $0xFFFF9C00  }
0x2d7: {  	[tilespmem:s14], [sflag:$0x5] =	stream.indirect.gather @!p0 [spmem:s3], $0x80, s13, s0, $0xb8;
	[tilespmem:$0x1A128] =	vst v63  }
0x2d8: {  	_ =	swait.ge [sflag:s12], $0x6400  }
0x2d9: {  	s28 =	sld [smem:$0x7F9]  }
0x2da: {  	[sflag:s12] =	ssyncset.done $0x0  }
0x2db: {  	[sflag:s12] =	ssyncadd.s32 $0xFFFF9C00  }
0x2dc: {  	[hbm4b:s28+s2] =	stream.linear.scatter [tilespmem:s9], [sflag:$0x6], $0x6400, $0x38;
	[tilespmem:$0x1A128] =	vst v63  }
0x2dd: {  	_ =	swait.ge [sflag:s11], $0x6400  }
0x2de: {  	s29 =	sld [smem:$0x7FA]  }
0x2df: {  	[sflag:s11] =	ssyncset.done $0x0  }
0x2e0: {  	[sflag:s11] =	ssyncadd.s32 $0xFFFF9C00  }
0x2e1: {  	[hbm4b:s29+s2] =	stream.linear.scatter [tilespmem:s8], [sflag:$0x7], $0x6400, $0x38;
	[tilespmem:$0x1A128] =	vst v63  }
0x2e2: {  	_ =	swait.ge [sflag:s10], $0x6400  }
0x2e3: {  	s30 =	sld [smem:$0x7FB]  }
0x2e4: {  	[sflag:s10] =	ssyncset.done $0x0  }
0x2e5: {  	s0 =	simm.s32 @p0 $0x9;
	[sflag:s10] =	ssyncadd.s32 $0xFFFF9C00  }
0x2e6: {  	[hbm4b:s30+s2] =	stream.linear.scatter [tilespmem:s7], [sflag:$0x8], $0x6400, $0x38;
	[tilespmem:$0x1A128] =	vst v63  }
0x2e7: {  	_ =	swait.ge @p0 [sflag:s0], $0x6400  }
0x2e8: {  	[sflag:s0] =	ssyncset.done @p0 $0x0  }
0x2e9: {  	[sflag:s0] =	ssyncadd.s32 @p0 $0xFFFF9C00;
	s0 =	simm.s32 @!p0 $0x5  }
0x2ea: {  	_ =	swait.ge @!p0 [sflag:s0], $0x6400  }
0x2eb: {  	s2 =	sld [smem:$0x7FC]  }
0x2ec: {  	[sflag:s0] =	ssyncset.done @!p0 $0x0  }
0x2ed: {  	[sflag:s0] =	ssyncadd.s32 @!p0 $0xFFFF9C00;
	s0 =	simm.s32 @!p0 $0x0  }
0x2ee: {  	[hbm4b:s2+s0] =	stream.linear.scatter @!p0 [tilespmem:s14], [sflag:$0x9], $0x6400, $0x38;
	[tilespmem:$0x1A128] =	vst v63  }
0x2ef: {  	_ =	swait.ge [sflag:s6], $0x6400  }
0x2f0: {  	[sflag:s6] =	ssyncset.done $0x0  }
0x2f1: {  	[sflag:s6] =	ssyncadd.s32 $0xFFFF9C00  }
0x2f2: {  	_ =	swait.ge [sflag:s5], $0x6400  }
0x2f3: {  	[sflag:s5] =	ssyncset.done $0x0  }
0x2f4: {  	[sflag:s5] =	ssyncadd.s32 $0xFFFF9C00  }
0x2f5: {  	_ =	swait.ge [sflag:s31], $0x6400  }
0x2f6: {  	[sflag:s31] =	ssyncset.done $0x0  }
0x2f7: {  	[sflag:s31] =	ssyncadd.s32 $0xFFFF9C00  }
0x2f8: {  	_ =	swait.ge @!p0 [sflag:s1], $0x6400  }
0x2f9: {  	[sflag:s1] =	ssyncset.done @!p0 $0x0  }
0x2fa: {  	[sflag:s1] =	ssyncadd.s32 @!p0 $0xFFFF9C00  }
0x2fb: {  	_ =	sfence.sel $0x180000  }
0x2fc: {  	[bflag:$0x0] =	sbarrier.arrive $0xFFFF  }
0x2fd: {  	_ =	strace $0x90000047  }
0x2fe: {  	[bflag:$0x2] =	sbarrier.arrive $0xFFFF  }
0x2ff: {  	p0 =	sne.s32 s24, $0x0;
	s0 =	rddreg [dreg:$0x4]  }
0x300: {  	s0 =	sadd.s32 @!p0 $0x100000, s0  }
0x301: {  	[sflag:s0] =	ssyncadd.tile.s32 @!p0 $0x1;
	_ =	shalt  }
.LBB2_1:
.Ltmp3:
0x302: {  	(pc) =	sbr.rel .LBB2_6-.Ltmp3, $2  }
0x303: {  	_ =	sdelay $0x2  }
0x304: {  	_ = 	snop  }
.LBB2_7:
.Ltmp4:
0x305: {  	(pc) =	sbr.rel .LBB2_6-.Ltmp4, $3  }
0x306: {  	_ =	sdelay $0x1  }
0x307: {  	s24 =	stileid.u32;
	s29 =	simm.s32 $0xE28  }
0x308: {  	s19 =	simm.s32 $0xD28;
	s20 =	simm.s32 $0xB28;
	s25 =	simm.s32 $0x728  }
.Lfunc_end2:
_tile_overlayer_lowered:
.L_overlay_start_2:
0x309: {  	(tag) =	ssettag $0x2  }
0x30a: {  	s0 =	rddreg [dreg:$0x0];
	s2 =	stileid.u32  }
0x30b: {  	s1 =	rddreg [dreg:$0x1];
	p0 =	sne.s32 s2, $0x0  }
0x30c: {  	s3 =	rddreg [dreg:$0x2];
	[bflag:$0x3] =	sbarrier.arrive $0xFFFF;
	s2 =	simm.s32 @!p0 $0x1C0A  }
0x30d: {  	[timem:s3], [sflag:s2] =	dma.local @!p0 [hbm:s0], s1  }
0x30e: {  	s0 =	simm.s32 @!p0 $0xA  }
0x30f: {  	_ =	swait.ge @!p0 [sflag:s0], s1  }
0x310: {  	s1 =	ssub.s32 @!p0 $0x0, s1;
	[sflag:s0] =	ssyncset.done @!p0 $0x0  }
0x311: {  	[sflag:s0] =	ssyncadd.s32 @!p0 s1  }
0x312: {  	[bflag:$0x3] =	sbarrier.arrive $0xFFFF  }
0x313: {  	_ =	shalt  }

</sc_bundles>
